<compile_context>
chip_gen: v7x
topology: tpu7x:2x2x1
jax: 0.10.2.dev20260603
libtpu: 0.0.44.dev20260713+nightly
codegen_flags: <defaults>
</compile_context>

<pallas_src>
import functools

import jax
import jax.numpy as jnp
from jax import lax
from jax.experimental import pallas as pl
from jax.experimental.pallas import tpu as pltpu
from jax.experimental.pallas import tpu_sc as plsc

N_POS = 8192
D = 1024
NC = 2
NS = 16
NW = NC * NS


def _build(B: int, C: int, NBUF: int):
    b_per_w = B // NW
    nsteps = b_per_w // C
    assert nsteps % NBUF == 0 and nsteps >= 2 * NBUF
    mesh = plsc.VectorSubcoreMesh(core_axis_name="c", subcore_axis_name="s")

    @functools.partial(
        pl.kernel,
        out_type=jax.ShapeDtypeStruct((B, D), jnp.float32),
        mesh=mesh,
        scratch_types=[
            pltpu.VMEM((b_per_w,), jnp.int32),
            [pltpu.VMEM((C, D), jnp.float32)] * NBUF,
            [pltpu.SemaphoreType.DMA] * NBUF,
            [pltpu.SemaphoreType.DMA] * NBUF,
        ],
    )
    def gather_kernel(table_hbm, idx_hbm, out_hbm, idx_v, bufs, gsems, ssems):
        wid = lax.axis_index("s") * NC + lax.axis_index("c")
        base = wid * b_per_w
        pltpu.sync_copy(idx_hbm.at[pl.ds(base, b_per_w)], idx_v)

        def start_gather(i, b):
            off = pl.multiple_of(i * C, 8)
            pltpu.async_copy(table_hbm.at[idx_v.at[pl.ds(off, C)]], bufs[b], gsems[b])

        def wait_gather(b):
            pltpu.make_async_copy(
                table_hbm.at[idx_v.at[pl.ds(0, C)]], bufs[b], gsems[b]
            ).wait()

        def start_store(i, b):
            pltpu.async_copy(bufs[b], out_hbm.at[pl.ds(base + i * C, C)], ssems[b])

        def wait_store(b):
            pltpu.make_async_copy(
                bufs[b], out_hbm.at[pl.ds(base, C)], ssems[b]
            ).wait()

        for k in range(NBUF - 1):
            start_gather(k, k)

        @pl.loop(0, nsteps, step=NBUF)
        def _(g):
            for b in range(NBUF):
                k = g + b
                wait_gather(b)
                start_store(k, b)
                nb = (b + NBUF - 1) % NBUF

                @pl.when(k >= 1)
                def _():
                    wait_store(nb)

                @pl.when(k + NBUF - 1 < nsteps)
                def _():
                    start_gather(k + NBUF - 1, nb)

        wait_store((nsteps - 1) % NBUF)

    return gather_kernel


@jax.jit
def kernel(x, table):
    orig_shape = x.shape
    idx = x.reshape(-1).astype(jnp.int32)
    out = _build(idx.shape[0], 8, 8)(table, idx)
    return out.reshape(*orig_shape, D)

# --- scband reference (transcript-rebuilt; emitter-appended) ---
"""Pipeline reference for scband-positional-embeddings-90898687852771 (READ-ONLY COPY).

The authoritative reference and input builder live on the scoring server;
editing this copy changes nothing except your own understanding.
"""

import jax, jax.numpy as jnp
import numpy as np

N_POSITION = 8192
HIDDEN_WIDTH = 1024

def setup_inputs(seed: int = 0) -> dict:
    key = jax.random.key(seed)
    k1, k2 = jax.random.split(key)
    x = jax.random.randint(k1, (4, 8192), 0, N_POSITION, dtype=jnp.int64 if jax.config.jax_enable_x64 else jnp.int32)
    # learned positional embedding table, matching nn.Embedding(n_position, hidden_width)
    table = jax.random.normal(k2, (N_POSITION, HIDDEN_WIDTH), dtype=jnp.float32)
    return {"x": x, "table": table}

def reference(x, table):
    # nn.Embedding forward: gather rows of the table by index
    return jnp.take(table, x, axis=0)

if __name__ == "__main__":
    import jax
    _d = setup_inputs()
    print(jax.jit(kernel)(*tuple(_d.values())))

</pallas_src>

<mosaic_0001>
#map = affine_map<(d0, d1) -> (0, 0)>
#map1 = affine_map<(d0, d1) -> (0)>
module attributes {stable_mosaic.version = 14 : i64} {
  func.func @gather_kernel(%arg0: i32, %arg1: i32, %arg2: memref<8192x1024xf32, #tpu.memory_space<hbm>>, %arg3: memref<32768xi32, #tpu.memory_space<hbm>>, %arg4: memref<32768x1024xf32, #tpu.memory_space<hbm>>, %arg5: memref<1024xi32, #tpu.memory_space<vmem>>, %arg6: memref<8x1024xf32, #tpu.memory_space<vmem>>, %arg7: memref<8x1024xf32, #tpu.memory_space<vmem>>, %arg8: memref<8x1024xf32, #tpu.memory_space<vmem>>, %arg9: memref<8x1024xf32, #tpu.memory_space<vmem>>, %arg10: memref<8x1024xf32, #tpu.memory_space<vmem>>, %arg11: memref<8x1024xf32, #tpu.memory_space<vmem>>, %arg12: memref<8x1024xf32, #tpu.memory_space<vmem>>, %arg13: memref<8x1024xf32, #tpu.memory_space<vmem>>, %arg14: memref<!tpu.dma_semaphore, #tpu.memory_space<semaphore_mem>>, %arg15: memref<!tpu.dma_semaphore, #tpu.memory_space<semaphore_mem>>, %arg16: memref<!tpu.dma_semaphore, #tpu.memory_space<semaphore_mem>>, %arg17: memref<!tpu.dma_semaphore, #tpu.memory_space<semaphore_mem>>, %arg18: memref<!tpu.dma_semaphore, #tpu.memory_space<semaphore_mem>>, %arg19: memref<!tpu.dma_semaphore, #tpu.memory_space<semaphore_mem>>, %arg20: memref<!tpu.dma_semaphore, #tpu.memory_space<semaphore_mem>>, %arg21: memref<!tpu.dma_semaphore, #tpu.memory_space<semaphore_mem>>, %arg22: memref<!tpu.dma_semaphore, #tpu.memory_space<semaphore_mem>>, %arg23: memref<!tpu.dma_semaphore, #tpu.memory_space<semaphore_mem>>, %arg24: memref<!tpu.dma_semaphore, #tpu.memory_space<semaphore_mem>>, %arg25: memref<!tpu.dma_semaphore, #tpu.memory_space<semaphore_mem>>, %arg26: memref<!tpu.dma_semaphore, #tpu.memory_space<semaphore_mem>>, %arg27: memref<!tpu.dma_semaphore, #tpu.memory_space<semaphore_mem>>, %arg28: memref<!tpu.dma_semaphore, #tpu.memory_space<semaphore_mem>>, %arg29: memref<!tpu.dma_semaphore, #tpu.memory_space<semaphore_mem>>) attributes {dimension_semantics = [#tpu.dimension_semantics<core_parallel>, #tpu.dimension_semantics<subcore_parallel>], iteration_bounds = array<i64: 2, 16>, scalar_prefetch = 0 : i64, scratch_operands = 25 : i64, tpu.core_type = #tpu.core_type<sc_vector_subcore>, window_params = [{transform_indices = #map}, {transform_indices = #map1}, {transform_indices = #map}]} {
    %mul3A = arith.constant 2 : i32
    %mul3A_0 = arith.muli %arg1, %mul3A : i32
    %add3A = arith.addi %mul3A_0, %arg0 : i32
    %mul3A_1 = arith.constant 1024 : i32
    %mul3A_2 = arith.muli %add3A, %mul3A_1 : i32
    "tpu.region"() ({
      %run_scoped3A = tpu.sem_alloc : memref<!tpu.dma_semaphore, #tpu.memory_space<semaphore_mem>>
      %dma_start3A_50 = tpu.memref_slice %arg3[%mul3A_2] : memref<32768xi32, #tpu.memory_space<hbm>> -> memref<1024xi32, #tpu.memory_space<hbm>>
      %dma_start3A_51 = tpu.memref_slice %arg3[%mul3A_2] : memref<32768xi32, #tpu.memory_space<hbm>> -> memref<1024xi32, #tpu.memory_space<hbm>>
      tpu.enqueue_dma source(%dma_start3A_51 : memref<1024xi32, #tpu.memory_space<hbm>>) target(%arg5 : memref<1024xi32, #tpu.memory_space<vmem>>) target_semaphore(%run_scoped3A : memref<!tpu.dma_semaphore, #tpu.memory_space<semaphore_mem>>)
      %dma_wait3A_52 = tpu.memref_slice %arg3[%mul3A_2] : memref<32768xi32, #tpu.memory_space<hbm>> -> memref<1024xi32, #tpu.memory_space<hbm>>
      %dma_wait3A_53 = tpu.memref_slice %arg3[%mul3A_2] : memref<32768xi32, #tpu.memory_space<hbm>> -> memref<1024xi32, #tpu.memory_space<hbm>>
      tpu.wait_dma2 semaphore(%run_scoped3A : memref<!tpu.dma_semaphore, #tpu.memory_space<semaphore_mem>>) src(%dma_wait3A_53 : memref<1024xi32, #tpu.memory_space<hbm>>) dst(%arg5 : memref<1024xi32, #tpu.memory_space<vmem>>)
      tpu.yield
    }) : () -> ()
    %multiple_of3A = arith.constant 0 : i32
    %multiple_of3A_3 = tpu.assume_multiple %multiple_of3A, 8 : i32
    %dma_start3A = tpu.memref_slice %arg5[%multiple_of3A_3] : memref<1024xi32, #tpu.memory_space<vmem>> -> memref<8xi32, #tpu.memory_space<vmem>>
    %dma_start3A_4 = arith.constant 0 : i32
    %dma_start3A_5 = arith.constant 0 : i32
    %dma_start3A_6 = tpu.memref_slice %arg2[%dma_start3A_4, %dma_start3A_5] : memref<8192x1024xf32, #tpu.memory_space<hbm>> -> memref<8192x1024xf32, #tpu.memory_space<hbm>>
    tpu.enqueue_indirect_dma source(%dma_start3A_6 : memref<8192x1024xf32, #tpu.memory_space<hbm>>) target(%arg6 : memref<8x1024xf32, #tpu.memory_space<vmem>>) offsets(%dma_start3A : memref<8xi32, #tpu.memory_space<vmem>>) semaphore(%arg14 : memref<!tpu.dma_semaphore, #tpu.memory_space<semaphore_mem>>)
    %multiple_of3A_7 = arith.constant 8 : i32
    %multiple_of3A_8 = tpu.assume_multiple %multiple_of3A_7, 8 : i32
    %dma_start3A_9 = tpu.memref_slice %arg5[%multiple_of3A_8] : memref<1024xi32, #tpu.memory_space<vmem>> -> memref<8xi32, #tpu.memory_space<vmem>>
    %dma_start3A_10 = arith.constant 0 : i32
    %dma_start3A_11 = arith.constant 0 : i32
    %dma_start3A_12 = tpu.memref_slice %arg2[%dma_start3A_10, %dma_start3A_11] : memref<8192x1024xf32, #tpu.memory_space<hbm>> -> memref<8192x1024xf32, #tpu.memory_space<hbm>>
    tpu.enqueue_indirect_dma source(%dma_start3A_12 : memref<8192x1024xf32, #tpu.memory_space<hbm>>) target(%arg7 : memref<8x1024xf32, #tpu.memory_space<vmem>>) offsets(%dma_start3A_9 : memref<8xi32, #tpu.memory_space<vmem>>) semaphore(%arg15 : memref<!tpu.dma_semaphore, #tpu.memory_space<semaphore_mem>>)
    %multiple_of3A_13 = arith.constant 16 : i32
    %multiple_of3A_14 = tpu.assume_multiple %multiple_of3A_13, 8 : i32
    %dma_start3A_15 = tpu.memref_slice %arg5[%multiple_of3A_14] : memref<1024xi32, #tpu.memory_space<vmem>> -> memref<8xi32, #tpu.memory_space<vmem>>
    %dma_start3A_16 = arith.constant 0 : i32
    %dma_start3A_17 = arith.constant 0 : i32
    %dma_start3A_18 = tpu.memref_slice %arg2[%dma_start3A_16, %dma_start3A_17] : memref<8192x1024xf32, #tpu.memory_space<hbm>> -> memref<8192x1024xf32, #tpu.memory_space<hbm>>
    tpu.enqueue_indirect_dma source(%dma_start3A_18 : memref<8192x1024xf32, #tpu.memory_space<hbm>>) target(%arg8 : memref<8x1024xf32, #tpu.memory_space<vmem>>) offsets(%dma_start3A_15 : memref<8xi32, #tpu.memory_space<vmem>>) semaphore(%arg16 : memref<!tpu.dma_semaphore, #tpu.memory_space<semaphore_mem>>)
    %multiple_of3A_19 = arith.constant 24 : i32
    %multiple_of3A_20 = tpu.assume_multiple %multiple_of3A_19, 8 : i32
    %dma_start3A_21 = tpu.memref_slice %arg5[%multiple_of3A_20] : memref<1024xi32, #tpu.memory_space<vmem>> -> memref<8xi32, #tpu.memory_space<vmem>>
    %dma_start3A_22 = arith.constant 0 : i32
    %dma_start3A_23 = arith.constant 0 : i32
    %dma_start3A_24 = tpu.memref_slice %arg2[%dma_start3A_22, %dma_start3A_23] : memref<8192x1024xf32, #tpu.memory_space<hbm>> -> memref<8192x1024xf32, #tpu.memory_space<hbm>>
    tpu.enqueue_indirect_dma source(%dma_start3A_24 : memref<8192x1024xf32, #tpu.memory_space<hbm>>) target(%arg9 : memref<8x1024xf32, #tpu.memory_space<vmem>>) offsets(%dma_start3A_21 : memref<8xi32, #tpu.memory_space<vmem>>) semaphore(%arg17 : memref<!tpu.dma_semaphore, #tpu.memory_space<semaphore_mem>>)
    %multiple_of3A_25 = arith.constant 32 : i32
    %multiple_of3A_26 = tpu.assume_multiple %multiple_of3A_25, 8 : i32
    %dma_start3A_27 = tpu.memref_slice %arg5[%multiple_of3A_26] : memref<1024xi32, #tpu.memory_space<vmem>> -> memref<8xi32, #tpu.memory_space<vmem>>
    %dma_start3A_28 = arith.constant 0 : i32
    %dma_start3A_29 = arith.constant 0 : i32
    %dma_start3A_30 = tpu.memref_slice %arg2[%dma_start3A_28, %dma_start3A_29] : memref<8192x1024xf32, #tpu.memory_space<hbm>> -> memref<8192x1024xf32, #tpu.memory_space<hbm>>
    tpu.enqueue_indirect_dma source(%dma_start3A_30 : memref<8192x1024xf32, #tpu.memory_space<hbm>>) target(%arg10 : memref<8x1024xf32, #tpu.memory_space<vmem>>) offsets(%dma_start3A_27 : memref<8xi32, #tpu.memory_space<vmem>>) semaphore(%arg18 : memref<!tpu.dma_semaphore, #tpu.memory_space<semaphore_mem>>)
    %multiple_of3A_31 = arith.constant 40 : i32
    %multiple_of3A_32 = tpu.assume_multiple %multiple_of3A_31, 8 : i32
    %dma_start3A_33 = tpu.memref_slice %arg5[%multiple_of3A_32] : memref<1024xi32, #tpu.memory_space<vmem>> -> memref<8xi32, #tpu.memory_space<vmem>>
    %dma_start3A_34 = arith.constant 0 : i32
    %dma_start3A_35 = arith.constant 0 : i32
    %dma_start3A_36 = tpu.memref_slice %arg2[%dma_start3A_34, %dma_start3A_35] : memref<8192x1024xf32, #tpu.memory_space<hbm>> -> memref<8192x1024xf32, #tpu.memory_space<hbm>>
    tpu.enqueue_indirect_dma source(%dma_start3A_36 : memref<8192x1024xf32, #tpu.memory_space<hbm>>) target(%arg11 : memref<8x1024xf32, #tpu.memory_space<vmem>>) offsets(%dma_start3A_33 : memref<8xi32, #tpu.memory_space<vmem>>) semaphore(%arg19 : memref<!tpu.dma_semaphore, #tpu.memory_space<semaphore_mem>>)
    %multiple_of3A_37 = arith.constant 48 : i32
    %multiple_of3A_38 = tpu.assume_multiple %multiple_of3A_37, 8 : i32
    %dma_start3A_39 = tpu.memref_slice %arg5[%multiple_of3A_38] : memref<1024xi32, #tpu.memory_space<vmem>> -> memref<8xi32, #tpu.memory_space<vmem>>
    %dma_start3A_40 = arith.constant 0 : i32
    %dma_start3A_41 = arith.constant 0 : i32
    %dma_start3A_42 = tpu.memref_slice %arg2[%dma_start3A_40, %dma_start3A_41] : memref<8192x1024xf32, #tpu.memory_space<hbm>> -> memref<8192x1024xf32, #tpu.memory_space<hbm>>
    tpu.enqueue_indirect_dma source(%dma_start3A_42 : memref<8192x1024xf32, #tpu.memory_space<hbm>>) target(%arg12 : memref<8x1024xf32, #tpu.memory_space<vmem>>) offsets(%dma_start3A_39 : memref<8xi32, #tpu.memory_space<vmem>>) semaphore(%arg20 : memref<!tpu.dma_semaphore, #tpu.memory_space<semaphore_mem>>)
    %scan3A = arith.constant 0 : i32
    %scan3A_43 = arith.constant 16 : i32
    %scan3A_44 = arith.addi %scan3A, %scan3A_43 : i32
    %scan3A_45 = arith.constant 1 : i32
    scf.for %scan3A_50 = %scan3A to %scan3A_44 step %scan3A_45  : i32 {
      %mul3A_51 = arith.constant 8 : i32
      %mul3A_52 = arith.muli %scan3A_50, %mul3A_51 : i32
      %add3A_53 = arith.constant 0 : i32
      %add3A_54 = arith.addi %add3A_53, %mul3A_52 : i32
      %add3A_55 = arith.constant 0 : i32
      %add3A_56 = arith.addi %add3A_54, %add3A_55 : i32
      %dma_wait3A_57 = arith.constant 0 : i32
      %dma_wait3A_58 = tpu.memref_slice %arg5[%dma_wait3A_57] : memref<1024xi32, #tpu.memory_space<vmem>> -> memref<8xi32, #tpu.memory_space<vmem>>
      %dma_wait3A_59 = arith.constant 0 : i32
      %dma_wait3A_60 = arith.constant 0 : i32
      %dma_wait3A_61 = tpu.memref_slice %arg2[%dma_wait3A_59, %dma_wait3A_60] : memref<8192x1024xf32, #tpu.memory_space<hbm>> -> memref<8192x1024xf32, #tpu.memory_space<hbm>>
      tpu.wait_indirect_dma semaphore(%arg14 : memref<!tpu.dma_semaphore, #tpu.memory_space<semaphore_mem>>) src(%dma_wait3A_61 : memref<8192x1024xf32, #tpu.memory_space<hbm>>) dst(%arg6 : memref<8x1024xf32, #tpu.memory_space<vmem>>)
      %mul3A_62 = arith.constant 8 : i32
      %mul3A_63 = arith.muli %add3A_56, %mul3A_62 : i32
      %add3A_64 = arith.addi %mul3A_2, %mul3A_63 : i32
      %dma_start3A_65 = arith.constant 0 : i32
      %dma_start3A_66 = tpu.memref_slice %arg4[%add3A_64, %dma_start3A_65] : memref<32768x1024xf32, #tpu.memory_space<hbm>> -> memref<8x1024xf32, #tpu.memory_space<hbm>>
      %dma_start3A_67 = arith.constant 0 : i32
      %dma_start3A_68 = tpu.memref_slice %arg4[%add3A_64, %dma_start3A_67] : memref<32768x1024xf32, #tpu.memory_space<hbm>> -> memref<8x1024xf32, #tpu.memory_space<hbm>>
      tpu.enqueue_dma source(%arg6 : memref<8x1024xf32, #tpu.memory_space<vmem>>) target(%dma_start3A_68 : memref<8x1024xf32, #tpu.memory_space<hbm>>) target_semaphore(%arg22 : memref<!tpu.dma_semaphore, #tpu.memory_space<semaphore_mem>>)
      %ge3A = arith.constant 1 : i32
      %ge3A_69 = arith.cmpi sge, %add3A_56, %ge3A : i32
      %convert_element_type3A = arith.extui %ge3A_69 : i1 to i32
      %cond3A = arith.constant 0 : i32
      %cond3A_70 = arith.cmpi ne, %convert_element_type3A, %cond3A : i32
      scf.if %cond3A_70 {
        %dma_wait3A_274 = arith.constant 0 : i32
        %dma_wait3A_275 = tpu.memref_slice %arg4[%mul3A_2, %dma_wait3A_274] : memref<32768x1024xf32, #tpu.memory_space<hbm>> -> memref<8x1024xf32, #tpu.memory_space<hbm>>
        %dma_wait3A_276 = arith.constant 0 : i32
        %dma_wait3A_277 = tpu.memref_slice %arg4[%mul3A_2, %dma_wait3A_276] : memref<32768x1024xf32, #tpu.memory_space<hbm>> -> memref<8x1024xf32, #tpu.memory_space<hbm>>
        tpu.wait_dma2 semaphore(%arg29 : memref<!tpu.dma_semaphore, #tpu.memory_space<semaphore_mem>>) src(%arg13 : memref<8x1024xf32, #tpu.memory_space<vmem>>) dst(%dma_wait3A_277 : memref<8x1024xf32, #tpu.memory_space<hbm>>)
      } else {
      }
      %add3A_71 = arith.constant 8 : i32
      %add3A_72 = arith.addi %add3A_56, %add3A_71 : i32
      %sub3A = arith.constant 1 : i32
      %sub3A_73 = arith.subi %add3A_72, %sub3A : i32
      %lt3A = arith.constant 128 : i32
      %lt3A_74 = arith.cmpi slt, %sub3A_73, %lt3A : i32
      %convert_element_type3A_75 = arith.extui %lt3A_74 : i1 to i32
      %cond3A_76 = arith.constant 0 : i32
      %cond3A_77 = arith.cmpi ne, %convert_element_type3A_75, %cond3A_76 : i32
      scf.if %cond3A_77 {
        %add3A_274 = arith.constant 8 : i32
        %add3A_275 = arith.addi %add3A_56, %add3A_274 : i32
        %sub3A_276 = arith.constant 1 : i32
        %sub3A_277 = arith.subi %add3A_275, %sub3A_276 : i32
        %mul3A_278 = arith.constant 8 : i32
        %mul3A_279 = arith.muli %sub3A_277, %mul3A_278 : i32
        %multiple_of3A_280 = tpu.assume_multiple %mul3A_279, 8 : i32
        %dma_start3A_281 = tpu.memref_slice %arg5[%multiple_of3A_280] : memref<1024xi32, #tpu.memory_space<vmem>> -> memref<8xi32, #tpu.memory_space<vmem>>
        %dma_start3A_282 = arith.constant 0 : i32
        %dma_start3A_283 = arith.constant 0 : i32
        %dma_start3A_284 = tpu.memref_slice %arg2[%dma_start3A_282, %dma_start3A_283] : memref<8192x1024xf32, #tpu.memory_space<hbm>> -> memref<8192x1024xf32, #tpu.memory_space<hbm>>
        tpu.enqueue_indirect_dma source(%dma_start3A_284 : memref<8192x1024xf32, #tpu.memory_space<hbm>>) target(%arg13 : memref<8x1024xf32, #tpu.memory_space<vmem>>) offsets(%dma_start3A_281 : memref<8xi32, #tpu.memory_space<vmem>>) semaphore(%arg21 : memref<!tpu.dma_semaphore, #tpu.memory_space<semaphore_mem>>)
      } else {
      }
      %add3A_78 = arith.constant 1 : i32
      %add3A_79 = arith.addi %add3A_54, %add3A_78 : i32
      %dma_wait3A_80 = arith.constant 0 : i32
      %dma_wait3A_81 = tpu.memref_slice %arg5[%dma_wait3A_80] : memref<1024xi32, #tpu.memory_space<vmem>> -> memref<8xi32, #tpu.memory_space<vmem>>
      %dma_wait3A_82 = arith.constant 0 : i32
      %dma_wait3A_83 = arith.constant 0 : i32
      %dma_wait3A_84 = tpu.memref_slice %arg2[%dma_wait3A_82, %dma_wait3A_83] : memref<8192x1024xf32, #tpu.memory_space<hbm>> -> memref<8192x1024xf32, #tpu.memory_space<hbm>>
      tpu.wait_indirect_dma semaphore(%arg15 : memref<!tpu.dma_semaphore, #tpu.memory_space<semaphore_mem>>) src(%dma_wait3A_84 : memref<8192x1024xf32, #tpu.memory_space<hbm>>) dst(%arg7 : memref<8x1024xf32, #tpu.memory_space<vmem>>)
      %mul3A_85 = arith.constant 8 : i32
      %mul3A_86 = arith.muli %add3A_79, %mul3A_85 : i32
      %add3A_87 = arith.addi %mul3A_2, %mul3A_86 : i32
      %dma_start3A_88 = arith.constant 0 : i32
      %dma_start3A_89 = tpu.memref_slice %arg4[%add3A_87, %dma_start3A_88] : memref<32768x1024xf32, #tpu.memory_space<hbm>> -> memref<8x1024xf32, #tpu.memory_space<hbm>>
      %dma_start3A_90 = arith.constant 0 : i32
      %dma_start3A_91 = tpu.memref_slice %arg4[%add3A_87, %dma_start3A_90] : memref<32768x1024xf32, #tpu.memory_space<hbm>> -> memref<8x1024xf32, #tpu.memory_space<hbm>>
      tpu.enqueue_dma source(%arg7 : memref<8x1024xf32, #tpu.memory_space<vmem>>) target(%dma_start3A_91 : memref<8x1024xf32, #tpu.memory_space<hbm>>) target_semaphore(%arg23 : memref<!tpu.dma_semaphore, #tpu.memory_space<semaphore_mem>>)
      %ge3A_92 = arith.constant 1 : i32
      %ge3A_93 = arith.cmpi sge, %add3A_79, %ge3A_92 : i32
      %convert_element_type3A_94 = arith.extui %ge3A_93 : i1 to i32
      %cond3A_95 = arith.constant 0 : i32
      %cond3A_96 = arith.cmpi ne, %convert_element_type3A_94, %cond3A_95 : i32
      scf.if %cond3A_96 {
        %dma_wait3A_274 = arith.constant 0 : i32
        %dma_wait3A_275 = tpu.memref_slice %arg4[%mul3A_2, %dma_wait3A_274] : memref<32768x1024xf32, #tpu.memory_space<hbm>> -> memref<8x1024xf32, #tpu.memory_space<hbm>>
        %dma_wait3A_276 = arith.constant 0 : i32
        %dma_wait3A_277 = tpu.memref_slice %arg4[%mul3A_2, %dma_wait3A_276] : memref<32768x1024xf32, #tpu.memory_space<hbm>> -> memref<8x1024xf32, #tpu.memory_space<hbm>>
        tpu.wait_dma2 semaphore(%arg22 : memref<!tpu.dma_semaphore, #tpu.memory_space<semaphore_mem>>) src(%arg6 : memref<8x1024xf32, #tpu.memory_space<vmem>>) dst(%dma_wait3A_277 : memref<8x1024xf32, #tpu.memory_space<hbm>>)
      } else {
      }
      %add3A_97 = arith.constant 8 : i32
      %add3A_98 = arith.addi %add3A_79, %add3A_97 : i32
      %sub3A_99 = arith.constant 1 : i32
      %sub3A_100 = arith.subi %add3A_98, %sub3A_99 : i32
      %lt3A_101 = arith.constant 128 : i32
      %lt3A_102 = arith.cmpi slt, %sub3A_100, %lt3A_101 : i32
      %convert_element_type3A_103 = arith.extui %lt3A_102 : i1 to i32
      %cond3A_104 = arith.constant 0 : i32
      %cond3A_105 = arith.cmpi ne, %convert_element_type3A_103, %cond3A_104 : i32
      scf.if %cond3A_105 {
        %add3A_274 = arith.constant 8 : i32
        %add3A_275 = arith.addi %add3A_79, %add3A_274 : i32
        %sub3A_276 = arith.constant 1 : i32
        %sub3A_277 = arith.subi %add3A_275, %sub3A_276 : i32
        %mul3A_278 = arith.constant 8 : i32
        %mul3A_279 = arith.muli %sub3A_277, %mul3A_278 : i32
        %multiple_of3A_280 = tpu.assume_multiple %mul3A_279, 8 : i32
        %dma_start3A_281 = tpu.memref_slice %arg5[%multiple_of3A_280] : memref<1024xi32, #tpu.memory_space<vmem>> -> memref<8xi32, #tpu.memory_space<vmem>>
        %dma_start3A_282 = arith.constant 0 : i32
        %dma_start3A_283 = arith.constant 0 : i32
        %dma_start3A_284 = tpu.memref_slice %arg2[%dma_start3A_282, %dma_start3A_283] : memref<8192x1024xf32, #tpu.memory_space<hbm>> -> memref<8192x1024xf32, #tpu.memory_space<hbm>>
        tpu.enqueue_indirect_dma source(%dma_start3A_284 : memref<8192x1024xf32, #tpu.memory_space<hbm>>) target(%arg6 : memref<8x1024xf32, #tpu.memory_space<vmem>>) offsets(%dma_start3A_281 : memref<8xi32, #tpu.memory_space<vmem>>) semaphore(%arg14 : memref<!tpu.dma_semaphore, #tpu.memory_space<semaphore_mem>>)
      } else {
      }
      %add3A_106 = arith.constant 2 : i32
      %add3A_107 = arith.addi %add3A_54, %add3A_106 : i32
      %dma_wait3A_108 = arith.constant 0 : i32
      %dma_wait3A_109 = tpu.memref_slice %arg5[%dma_wait3A_108] : memref<1024xi32, #tpu.memory_space<vmem>> -> memref<8xi32, #tpu.memory_space<vmem>>
      %dma_wait3A_110 = arith.constant 0 : i32
      %dma_wait3A_111 = arith.constant 0 : i32
      %dma_wait3A_112 = tpu.memref_slice %arg2[%dma_wait3A_110, %dma_wait3A_111] : memref<8192x1024xf32, #tpu.memory_space<hbm>> -> memref<8192x1024xf32, #tpu.memory_space<hbm>>
      tpu.wait_indirect_dma semaphore(%arg16 : memref<!tpu.dma_semaphore, #tpu.memory_space<semaphore_mem>>) src(%dma_wait3A_112 : memref<8192x1024xf32, #tpu.memory_space<hbm>>) dst(%arg8 : memref<8x1024xf32, #tpu.memory_space<vmem>>)
      %mul3A_113 = arith.constant 8 : i32
      %mul3A_114 = arith.muli %add3A_107, %mul3A_113 : i32
      %add3A_115 = arith.addi %mul3A_2, %mul3A_114 : i32
      %dma_start3A_116 = arith.constant 0 : i32
      %dma_start3A_117 = tpu.memref_slice %arg4[%add3A_115, %dma_start3A_116] : memref<32768x1024xf32, #tpu.memory_space<hbm>> -> memref<8x1024xf32, #tpu.memory_space<hbm>>
      %dma_start3A_118 = arith.constant 0 : i32
      %dma_start3A_119 = tpu.memref_slice %arg4[%add3A_115, %dma_start3A_118] : memref<32768x1024xf32, #tpu.memory_space<hbm>> -> memref<8x1024xf32, #tpu.memory_space<hbm>>
      tpu.enqueue_dma source(%arg8 : memref<8x1024xf32, #tpu.memory_space<vmem>>) target(%dma_start3A_119 : memref<8x1024xf32, #tpu.memory_space<hbm>>) target_semaphore(%arg24 : memref<!tpu.dma_semaphore, #tpu.memory_space<semaphore_mem>>)
      %ge3A_120 = arith.constant 1 : i32
      %ge3A_121 = arith.cmpi sge, %add3A_107, %ge3A_120 : i32
      %convert_element_type3A_122 = arith.extui %ge3A_121 : i1 to i32
      %cond3A_123 = arith.constant 0 : i32
      %cond3A_124 = arith.cmpi ne, %convert_element_type3A_122, %cond3A_123 : i32
      scf.if %cond3A_124 {
        %dma_wait3A_274 = arith.constant 0 : i32
        %dma_wait3A_275 = tpu.memref_slice %arg4[%mul3A_2, %dma_wait3A_274] : memref<32768x1024xf32, #tpu.memory_space<hbm>> -> memref<8x1024xf32, #tpu.memory_space<hbm>>
        %dma_wait3A_276 = arith.constant 0 : i32
        %dma_wait3A_277 = tpu.memref_slice %arg4[%mul3A_2, %dma_wait3A_276] : memref<32768x1024xf32, #tpu.memory_space<hbm>> -> memref<8x1024xf32, #tpu.memory_space<hbm>>
        tpu.wait_dma2 semaphore(%arg23 : memref<!tpu.dma_semaphore, #tpu.memory_space<semaphore_mem>>) src(%arg7 : memref<8x1024xf32, #tpu.memory_space<vmem>>) dst(%dma_wait3A_277 : memref<8x1024xf32, #tpu.memory_space<hbm>>)
      } else {
      }
      %add3A_125 = arith.constant 8 : i32
      %add3A_126 = arith.addi %add3A_107, %add3A_125 : i32
      %sub3A_127 = arith.constant 1 : i32
      %sub3A_128 = arith.subi %add3A_126, %sub3A_127 : i32
      %lt3A_129 = arith.constant 128 : i32
      %lt3A_130 = arith.cmpi slt, %sub3A_128, %lt3A_129 : i32
      %convert_element_type3A_131 = arith.extui %lt3A_130 : i1 to i32
      %cond3A_132 = arith.constant 0 : i32
      %cond3A_133 = arith.cmpi ne, %convert_element_type3A_131, %cond3A_132 : i32
      scf.if %cond3A_133 {
        %add3A_274 = arith.constant 8 : i32
        %add3A_275 = arith.addi %add3A_107, %add3A_274 : i32
        %sub3A_276 = arith.constant 1 : i32
        %sub3A_277 = arith.subi %add3A_275, %sub3A_276 : i32
        %mul3A_278 = arith.constant 8 : i32
        %mul3A_279 = arith.muli %sub3A_277, %mul3A_278 : i32
        %multiple_of3A_280 = tpu.assume_multiple %mul3A_279, 8 : i32
        %dma_start3A_281 = tpu.memref_slice %arg5[%multiple_of3A_280] : memref<1024xi32, #tpu.memory_space<vmem>> -> memref<8xi32, #tpu.memory_space<vmem>>
        %dma_start3A_282 = arith.constant 0 : i32
        %dma_start3A_283 = arith.constant 0 : i32
        %dma_start3A_284 = tpu.memref_slice %arg2[%dma_start3A_282, %dma_start3A_283] : memref<8192x1024xf32, #tpu.memory_space<hbm>> -> memref<8192x1024xf32, #tpu.memory_space<hbm>>
        tpu.enqueue_indirect_dma source(%dma_start3A_284 : memref<8192x1024xf32, #tpu.memory_space<hbm>>) target(%arg7 : memref<8x1024xf32, #tpu.memory_space<vmem>>) offsets(%dma_start3A_281 : memref<8xi32, #tpu.memory_space<vmem>>) semaphore(%arg15 : memref<!tpu.dma_semaphore, #tpu.memory_space<semaphore_mem>>)
      } else {
      }
      %add3A_134 = arith.constant 3 : i32
      %add3A_135 = arith.addi %add3A_54, %add3A_134 : i32
      %dma_wait3A_136 = arith.constant 0 : i32
      %dma_wait3A_137 = tpu.memref_slice %arg5[%dma_wait3A_136] : memref<1024xi32, #tpu.memory_space<vmem>> -> memref<8xi32, #tpu.memory_space<vmem>>
      %dma_wait3A_138 = arith.constant 0 : i32
      %dma_wait3A_139 = arith.constant 0 : i32
      %dma_wait3A_140 = tpu.memref_slice %arg2[%dma_wait3A_138, %dma_wait3A_139] : memref<8192x1024xf32, #tpu.memory_space<hbm>> -> memref<8192x1024xf32, #tpu.memory_space<hbm>>
      tpu.wait_indirect_dma semaphore(%arg17 : memref<!tpu.dma_semaphore, #tpu.memory_space<semaphore_mem>>) src(%dma_wait3A_140 : memref<8192x1024xf32, #tpu.memory_space<hbm>>) dst(%arg9 : memref<8x1024xf32, #tpu.memory_space<vmem>>)
      %mul3A_141 = arith.constant 8 : i32
      %mul3A_142 = arith.muli %add3A_135, %mul3A_141 : i32
      %add3A_143 = arith.addi %mul3A_2, %mul3A_142 : i32
      %dma_start3A_144 = arith.constant 0 : i32
      %dma_start3A_145 = tpu.memref_slice %arg4[%add3A_143, %dma_start3A_144] : memref<32768x1024xf32, #tpu.memory_space<hbm>> -> memref<8x1024xf32, #tpu.memory_space<hbm>>
      %dma_start3A_146 = arith.constant 0 : i32
      %dma_start3A_147 = tpu.memref_slice %arg4[%add3A_143, %dma_start3A_146] : memref<32768x1024xf32, #tpu.memory_space<hbm>> -> memref<8x1024xf32, #tpu.memory_space<hbm>>
      tpu.enqueue_dma source(%arg9 : memref<8x1024xf32, #tpu.memory_space<vmem>>) target(%dma_start3A_147 : memref<8x1024xf32, #tpu.memory_space<hbm>>) target_semaphore(%arg25 : memref<!tpu.dma_semaphore, #tpu.memory_space<semaphore_mem>>)
      %ge3A_148 = arith.constant 1 : i32
      %ge3A_149 = arith.cmpi sge, %add3A_135, %ge3A_148 : i32
      %convert_element_type3A_150 = arith.extui %ge3A_149 : i1 to i32
      %cond3A_151 = arith.constant 0 : i32
      %cond3A_152 = arith.cmpi ne, %convert_element_type3A_150, %cond3A_151 : i32
      scf.if %cond3A_152 {
        %dma_wait3A_274 = arith.constant 0 : i32
        %dma_wait3A_275 = tpu.memref_slice %arg4[%mul3A_2, %dma_wait3A_274] : memref<32768x1024xf32, #tpu.memory_space<hbm>> -> memref<8x1024xf32, #tpu.memory_space<hbm>>
        %dma_wait3A_276 = arith.constant 0 : i32
        %dma_wait3A_277 = tpu.memref_slice %arg4[%mul3A_2, %dma_wait3A_276] : memref<32768x1024xf32, #tpu.memory_space<hbm>> -> memref<8x1024xf32, #tpu.memory_space<hbm>>
        tpu.wait_dma2 semaphore(%arg24 : memref<!tpu.dma_semaphore, #tpu.memory_space<semaphore_mem>>) src(%arg8 : memref<8x1024xf32, #tpu.memory_space<vmem>>) dst(%dma_wait3A_277 : memref<8x1024xf32, #tpu.memory_space<hbm>>)
      } else {
      }
      %add3A_153 = arith.constant 8 : i32
      %add3A_154 = arith.addi %add3A_135, %add3A_153 : i32
      %sub3A_155 = arith.constant 1 : i32
      %sub3A_156 = arith.subi %add3A_154, %sub3A_155 : i32
      %lt3A_157 = arith.constant 128 : i32
      %lt3A_158 = arith.cmpi slt, %sub3A_156, %lt3A_157 : i32
      %convert_element_type3A_159 = arith.extui %lt3A_158 : i1 to i32
      %cond3A_160 = arith.constant 0 : i32
      %cond3A_161 = arith.cmpi ne, %convert_element_type3A_159, %cond3A_160 : i32
      scf.if %cond3A_161 {
        %add3A_274 = arith.constant 8 : i32
        %add3A_275 = arith.addi %add3A_135, %add3A_274 : i32
        %sub3A_276 = arith.constant 1 : i32
        %sub3A_277 = arith.subi %add3A_275, %sub3A_276 : i32
        %mul3A_278 = arith.constant 8 : i32
        %mul3A_279 = arith.muli %sub3A_277, %mul3A_278 : i32
        %multiple_of3A_280 = tpu.assume_multiple %mul3A_279, 8 : i32
        %dma_start3A_281 = tpu.memref_slice %arg5[%multiple_of3A_280] : memref<1024xi32, #tpu.memory_space<vmem>> -> memref<8xi32, #tpu.memory_space<vmem>>
        %dma_start3A_282 = arith.constant 0 : i32
        %dma_start3A_283 = arith.constant 0 : i32
        %dma_start3A_284 = tpu.memref_slice %arg2[%dma_start3A_282, %dma_start3A_283] : memref<8192x1024xf32, #tpu.memory_space<hbm>> -> memref<8192x1024xf32, #tpu.memory_space<hbm>>
        tpu.enqueue_indirect_dma source(%dma_start3A_284 : memref<8192x1024xf32, #tpu.memory_space<hbm>>) target(%arg8 : memref<8x1024xf32, #tpu.memory_space<vmem>>) offsets(%dma_start3A_281 : memref<8xi32, #tpu.memory_space<vmem>>) semaphore(%arg16 : memref<!tpu.dma_semaphore, #tpu.memory_space<semaphore_mem>>)
      } else {
      }
      %add3A_162 = arith.constant 4 : i32
      %add3A_163 = arith.addi %add3A_54, %add3A_162 : i32
      %dma_wait3A_164 = arith.constant 0 : i32
      %dma_wait3A_165 = tpu.memref_slice %arg5[%dma_wait3A_164] : memref<1024xi32, #tpu.memory_space<vmem>> -> memref<8xi32, #tpu.memory_space<vmem>>
      %dma_wait3A_166 = arith.constant 0 : i32
      %dma_wait3A_167 = arith.constant 0 : i32
      %dma_wait3A_168 = tpu.memref_slice %arg2[%dma_wait3A_166, %dma_wait3A_167] : memref<8192x1024xf32, #tpu.memory_space<hbm>> -> memref<8192x1024xf32, #tpu.memory_space<hbm>>
      tpu.wait_indirect_dma semaphore(%arg18 : memref<!tpu.dma_semaphore, #tpu.memory_space<semaphore_mem>>) src(%dma_wait3A_168 : memref<8192x1024xf32, #tpu.memory_space<hbm>>) dst(%arg10 : memref<8x1024xf32, #tpu.memory_space<vmem>>)
      %mul3A_169 = arith.constant 8 : i32
      %mul3A_170 = arith.muli %add3A_163, %mul3A_169 : i32
      %add3A_171 = arith.addi %mul3A_2, %mul3A_170 : i32
      %dma_start3A_172 = arith.constant 0 : i32
      %dma_start3A_173 = tpu.memref_slice %arg4[%add3A_171, %dma_start3A_172] : memref<32768x1024xf32, #tpu.memory_space<hbm>> -> memref<8x1024xf32, #tpu.memory_space<hbm>>
      %dma_start3A_174 = arith.constant 0 : i32
      %dma_start3A_175 = tpu.memref_slice %arg4[%add3A_171, %dma_start3A_174] : memref<32768x1024xf32, #tpu.memory_space<hbm>> -> memref<8x1024xf32, #tpu.memory_space<hbm>>
      tpu.enqueue_dma source(%arg10 : memref<8x1024xf32, #tpu.memory_space<vmem>>) target(%dma_start3A_175 : memref<8x1024xf32, #tpu.memory_space<hbm>>) target_semaphore(%arg26 : memref<!tpu.dma_semaphore, #tpu.memory_space<semaphore_mem>>)
      %ge3A_176 = arith.constant 1 : i32
      %ge3A_177 = arith.cmpi sge, %add3A_163, %ge3A_176 : i32
      %convert_element_type3A_178 = arith.extui %ge3A_177 : i1 to i32
      %cond3A_179 = arith.constant 0 : i32
      %cond3A_180 = arith.cmpi ne, %convert_element_type3A_178, %cond3A_179 : i32
      scf.if %cond3A_180 {
        %dma_wait3A_274 = arith.constant 0 : i32
        %dma_wait3A_275 = tpu.memref_slice %arg4[%mul3A_2, %dma_wait3A_274] : memref<32768x1024xf32, #tpu.memory_space<hbm>> -> memref<8x1024xf32, #tpu.memory_space<hbm>>
        %dma_wait3A_276 = arith.constant 0 : i32
        %dma_wait3A_277 = tpu.memref_slice %arg4[%mul3A_2, %dma_wait3A_276] : memref<32768x1024xf32, #tpu.memory_space<hbm>> -> memref<8x1024xf32, #tpu.memory_space<hbm>>
        tpu.wait_dma2 semaphore(%arg25 : memref<!tpu.dma_semaphore, #tpu.memory_space<semaphore_mem>>) src(%arg9 : memref<8x1024xf32, #tpu.memory_space<vmem>>) dst(%dma_wait3A_277 : memref<8x1024xf32, #tpu.memory_space<hbm>>)
      } else {
      }
      %add3A_181 = arith.constant 8 : i32
      %add3A_182 = arith.addi %add3A_163, %add3A_181 : i32
      %sub3A_183 = arith.constant 1 : i32
      %sub3A_184 = arith.subi %add3A_182, %sub3A_183 : i32
      %lt3A_185 = arith.constant 128 : i32
      %lt3A_186 = arith.cmpi slt, %sub3A_184, %lt3A_185 : i32
      %convert_element_type3A_187 = arith.extui %lt3A_186 : i1 to i32
      %cond3A_188 = arith.constant 0 : i32
      %cond3A_189 = arith.cmpi ne, %convert_element_type3A_187, %cond3A_188 : i32
      scf.if %cond3A_189 {
        %add3A_274 = arith.constant 8 : i32
        %add3A_275 = arith.addi %add3A_163, %add3A_274 : i32
        %sub3A_276 = arith.constant 1 : i32
        %sub3A_277 = arith.subi %add3A_275, %sub3A_276 : i32
        %mul3A_278 = arith.constant 8 : i32
        %mul3A_279 = arith.muli %sub3A_277, %mul3A_278 : i32
        %multiple_of3A_280 = tpu.assume_multiple %mul3A_279, 8 : i32
        %dma_start3A_281 = tpu.memref_slice %arg5[%multiple_of3A_280] : memref<1024xi32, #tpu.memory_space<vmem>> -> memref<8xi32, #tpu.memory_space<vmem>>
        %dma_start3A_282 = arith.constant 0 : i32
        %dma_start3A_283 = arith.constant 0 : i32
        %dma_start3A_284 = tpu.memref_slice %arg2[%dma_start3A_282, %dma_start3A_283] : memref<8192x1024xf32, #tpu.memory_space<hbm>> -> memref<8192x1024xf32, #tpu.memory_space<hbm>>
        tpu.enqueue_indirect_dma source(%dma_start3A_284 : memref<8192x1024xf32, #tpu.memory_space<hbm>>) target(%arg9 : memref<8x1024xf32, #tpu.memory_space<vmem>>) offsets(%dma_start3A_281 : memref<8xi32, #tpu.memory_space<vmem>>) semaphore(%arg17 : memref<!tpu.dma_semaphore, #tpu.memory_space<semaphore_mem>>)
      } else {
      }
      %add3A_190 = arith.constant 5 : i32
      %add3A_191 = arith.addi %add3A_54, %add3A_190 : i32
      %dma_wait3A_192 = arith.constant 0 : i32
      %dma_wait3A_193 = tpu.memref_slice %arg5[%dma_wait3A_192] : memref<1024xi32, #tpu.memory_space<vmem>> -> memref<8xi32, #tpu.memory_space<vmem>>
      %dma_wait3A_194 = arith.constant 0 : i32
      %dma_wait3A_195 = arith.constant 0 : i32
      %dma_wait3A_196 = tpu.memref_slice %arg2[%dma_wait3A_194, %dma_wait3A_195] : memref<8192x1024xf32, #tpu.memory_space<hbm>> -> memref<8192x1024xf32, #tpu.memory_space<hbm>>
      tpu.wait_indirect_dma semaphore(%arg19 : memref<!tpu.dma_semaphore, #tpu.memory_space<semaphore_mem>>) src(%dma_wait3A_196 : memref<8192x1024xf32, #tpu.memory_space<hbm>>) dst(%arg11 : memref<8x1024xf32, #tpu.memory_space<vmem>>)
      %mul3A_197 = arith.constant 8 : i32
      %mul3A_198 = arith.muli %add3A_191, %mul3A_197 : i32
      %add3A_199 = arith.addi %mul3A_2, %mul3A_198 : i32
      %dma_start3A_200 = arith.constant 0 : i32
      %dma_start3A_201 = tpu.memref_slice %arg4[%add3A_199, %dma_start3A_200] : memref<32768x1024xf32, #tpu.memory_space<hbm>> -> memref<8x1024xf32, #tpu.memory_space<hbm>>
      %dma_start3A_202 = arith.constant 0 : i32
      %dma_start3A_203 = tpu.memref_slice %arg4[%add3A_199, %dma_start3A_202] : memref<32768x1024xf32, #tpu.memory_space<hbm>> -> memref<8x1024xf32, #tpu.memory_space<hbm>>
      tpu.enqueue_dma source(%arg11 : memref<8x1024xf32, #tpu.memory_space<vmem>>) target(%dma_start3A_203 : memref<8x1024xf32, #tpu.memory_space<hbm>>) target_semaphore(%arg27 : memref<!tpu.dma_semaphore, #tpu.memory_space<semaphore_mem>>)
      %ge3A_204 = arith.constant 1 : i32
      %ge3A_205 = arith.cmpi sge, %add3A_191, %ge3A_204 : i32
      %convert_element_type3A_206 = arith.extui %ge3A_205 : i1 to i32
      %cond3A_207 = arith.constant 0 : i32
      %cond3A_208 = arith.cmpi ne, %convert_element_type3A_206, %cond3A_207 : i32
      scf.if %cond3A_208 {
        %dma_wait3A_274 = arith.constant 0 : i32
        %dma_wait3A_275 = tpu.memref_slice %arg4[%mul3A_2, %dma_wait3A_274] : memref<32768x1024xf32, #tpu.memory_space<hbm>> -> memref<8x1024xf32, #tpu.memory_space<hbm>>
        %dma_wait3A_276 = arith.constant 0 : i32
        %dma_wait3A_277 = tpu.memref_slice %arg4[%mul3A_2, %dma_wait3A_276] : memref<32768x1024xf32, #tpu.memory_space<hbm>> -> memref<8x1024xf32, #tpu.memory_space<hbm>>
        tpu.wait_dma2 semaphore(%arg26 : memref<!tpu.dma_semaphore, #tpu.memory_space<semaphore_mem>>) src(%arg10 : memref<8x1024xf32, #tpu.memory_space<vmem>>) dst(%dma_wait3A_277 : memref<8x1024xf32, #tpu.memory_space<hbm>>)
      } else {
      }
      %add3A_209 = arith.constant 8 : i32
      %add3A_210 = arith.addi %add3A_191, %add3A_209 : i32
      %sub3A_211 = arith.constant 1 : i32
      %sub3A_212 = arith.subi %add3A_210, %sub3A_211 : i32
      %lt3A_213 = arith.constant 128 : i32
      %lt3A_214 = arith.cmpi slt, %sub3A_212, %lt3A_213 : i32
      %convert_element_type3A_215 = arith.extui %lt3A_214 : i1 to i32
      %cond3A_216 = arith.constant 0 : i32
      %cond3A_217 = arith.cmpi ne, %convert_element_type3A_215, %cond3A_216 : i32
      scf.if %cond3A_217 {
        %add3A_274 = arith.constant 8 : i32
        %add3A_275 = arith.addi %add3A_191, %add3A_274 : i32
        %sub3A_276 = arith.constant 1 : i32
        %sub3A_277 = arith.subi %add3A_275, %sub3A_276 : i32
        %mul3A_278 = arith.constant 8 : i32
        %mul3A_279 = arith.muli %sub3A_277, %mul3A_278 : i32
        %multiple_of3A_280 = tpu.assume_multiple %mul3A_279, 8 : i32
        %dma_start3A_281 = tpu.memref_slice %arg5[%multiple_of3A_280] : memref<1024xi32, #tpu.memory_space<vmem>> -> memref<8xi32, #tpu.memory_space<vmem>>
        %dma_start3A_282 = arith.constant 0 : i32
        %dma_start3A_283 = arith.constant 0 : i32
        %dma_start3A_284 = tpu.memref_slice %arg2[%dma_start3A_282, %dma_start3A_283] : memref<8192x1024xf32, #tpu.memory_space<hbm>> -> memref<8192x1024xf32, #tpu.memory_space<hbm>>
        tpu.enqueue_indirect_dma source(%dma_start3A_284 : memref<8192x1024xf32, #tpu.memory_space<hbm>>) target(%arg10 : memref<8x1024xf32, #tpu.memory_space<vmem>>) offsets(%dma_start3A_281 : memref<8xi32, #tpu.memory_space<vmem>>) semaphore(%arg18 : memref<!tpu.dma_semaphore, #tpu.memory_space<semaphore_mem>>)
      } else {
      }
      %add3A_218 = arith.constant 6 : i32
      %add3A_219 = arith.addi %add3A_54, %add3A_218 : i32
      %dma_wait3A_220 = arith.constant 0 : i32
      %dma_wait3A_221 = tpu.memref_slice %arg5[%dma_wait3A_220] : memref<1024xi32, #tpu.memory_space<vmem>> -> memref<8xi32, #tpu.memory_space<vmem>>
      %dma_wait3A_222 = arith.constant 0 : i32
      %dma_wait3A_223 = arith.constant 0 : i32
      %dma_wait3A_224 = tpu.memref_slice %arg2[%dma_wait3A_222, %dma_wait3A_223] : memref<8192x1024xf32, #tpu.memory_space<hbm>> -> memref<8192x1024xf32, #tpu.memory_space<hbm>>
      tpu.wait_indirect_dma semaphore(%arg20 : memref<!tpu.dma_semaphore, #tpu.memory_space<semaphore_mem>>) src(%dma_wait3A_224 : memref<8192x1024xf32, #tpu.memory_space<hbm>>) dst(%arg12 : memref<8x1024xf32, #tpu.memory_space<vmem>>)
      %mul3A_225 = arith.constant 8 : i32
      %mul3A_226 = arith.muli %add3A_219, %mul3A_225 : i32
      %add3A_227 = arith.addi %mul3A_2, %mul3A_226 : i32
      %dma_start3A_228 = arith.constant 0 : i32
      %dma_start3A_229 = tpu.memref_slice %arg4[%add3A_227, %dma_start3A_228] : memref<32768x1024xf32, #tpu.memory_space<hbm>> -> memref<8x1024xf32, #tpu.memory_space<hbm>>
      %dma_start3A_230 = arith.constant 0 : i32
      %dma_start3A_231 = tpu.memref_slice %arg4[%add3A_227, %dma_start3A_230] : memref<32768x1024xf32, #tpu.memory_space<hbm>> -> memref<8x1024xf32, #tpu.memory_space<hbm>>
      tpu.enqueue_dma source(%arg12 : memref<8x1024xf32, #tpu.memory_space<vmem>>) target(%dma_start3A_231 : memref<8x1024xf32, #tpu.memory_space<hbm>>) target_semaphore(%arg28 : memref<!tpu.dma_semaphore, #tpu.memory_space<semaphore_mem>>)
      %ge3A_232 = arith.constant 1 : i32
      %ge3A_233 = arith.cmpi sge, %add3A_219, %ge3A_232 : i32
      %convert_element_type3A_234 = arith.extui %ge3A_233 : i1 to i32
      %cond3A_235 = arith.constant 0 : i32
      %cond3A_236 = arith.cmpi ne, %convert_element_type3A_234, %cond3A_235 : i32
      scf.if %cond3A_236 {
        %dma_wait3A_274 = arith.constant 0 : i32
        %dma_wait3A_275 = tpu.memref_slice %arg4[%mul3A_2, %dma_wait3A_274] : memref<32768x1024xf32, #tpu.memory_space<hbm>> -> memref<8x1024xf32, #tpu.memory_space<hbm>>
        %dma_wait3A_276 = arith.constant 0 : i32
        %dma_wait3A_277 = tpu.memref_slice %arg4[%mul3A_2, %dma_wait3A_276] : memref<32768x1024xf32, #tpu.memory_space<hbm>> -> memref<8x1024xf32, #tpu.memory_space<hbm>>
        tpu.wait_dma2 semaphore(%arg27 : memref<!tpu.dma_semaphore, #tpu.memory_space<semaphore_mem>>) src(%arg11 : memref<8x1024xf32, #tpu.memory_space<vmem>>) dst(%dma_wait3A_277 : memref<8x1024xf32, #tpu.memory_space<hbm>>)
      } else {
      }
      %add3A_237 = arith.constant 8 : i32
      %add3A_238 = arith.addi %add3A_219, %add3A_237 : i32
      %sub3A_239 = arith.constant 1 : i32
      %sub3A_240 = arith.subi %add3A_238, %sub3A_239 : i32
      %lt3A_241 = arith.constant 128 : i32
      %lt3A_242 = arith.cmpi slt, %sub3A_240, %lt3A_241 : i32
      %convert_element_type3A_243 = arith.extui %lt3A_242 : i1 to i32
      %cond3A_244 = arith.constant 0 : i32
      %cond3A_245 = arith.cmpi ne, %convert_element_type3A_243, %cond3A_244 : i32
      scf.if %cond3A_245 {
        %add3A_274 = arith.constant 8 : i32
        %add3A_275 = arith.addi %add3A_219, %add3A_274 : i32
        %sub3A_276 = arith.constant 1 : i32
        %sub3A_277 = arith.subi %add3A_275, %sub3A_276 : i32
        %mul3A_278 = arith.constant 8 : i32
        %mul3A_279 = arith.muli %sub3A_277, %mul3A_278 : i32
        %multiple_of3A_280 = tpu.assume_multiple %mul3A_279, 8 : i32
        %dma_start3A_281 = tpu.memref_slice %arg5[%multiple_of3A_280] : memref<1024xi32, #tpu.memory_space<vmem>> -> memref<8xi32, #tpu.memory_space<vmem>>
        %dma_start3A_282 = arith.constant 0 : i32
        %dma_start3A_283 = arith.constant 0 : i32
        %dma_start3A_284 = tpu.memref_slice %arg2[%dma_start3A_282, %dma_start3A_283] : memref<8192x1024xf32, #tpu.memory_space<hbm>> -> memref<8192x1024xf32, #tpu.memory_space<hbm>>
        tpu.enqueue_indirect_dma source(%dma_start3A_284 : memref<8192x1024xf32, #tpu.memory_space<hbm>>) target(%arg11 : memref<8x1024xf32, #tpu.memory_space<vmem>>) offsets(%dma_start3A_281 : memref<8xi32, #tpu.memory_space<vmem>>) semaphore(%arg19 : memref<!tpu.dma_semaphore, #tpu.memory_space<semaphore_mem>>)
      } else {
      }
      %add3A_246 = arith.constant 7 : i32
      %add3A_247 = arith.addi %add3A_54, %add3A_246 : i32
      %dma_wait3A_248 = arith.constant 0 : i32
      %dma_wait3A_249 = tpu.memref_slice %arg5[%dma_wait3A_248] : memref<1024xi32, #tpu.memory_space<vmem>> -> memref<8xi32, #tpu.memory_space<vmem>>
      %dma_wait3A_250 = arith.constant 0 : i32
      %dma_wait3A_251 = arith.constant 0 : i32
      %dma_wait3A_252 = tpu.memref_slice %arg2[%dma_wait3A_250, %dma_wait3A_251] : memref<8192x1024xf32, #tpu.memory_space<hbm>> -> memref<8192x1024xf32, #tpu.memory_space<hbm>>
      tpu.wait_indirect_dma semaphore(%arg21 : memref<!tpu.dma_semaphore, #tpu.memory_space<semaphore_mem>>) src(%dma_wait3A_252 : memref<8192x1024xf32, #tpu.memory_space<hbm>>) dst(%arg13 : memref<8x1024xf32, #tpu.memory_space<vmem>>)
      %mul3A_253 = arith.constant 8 : i32
      %mul3A_254 = arith.muli %add3A_247, %mul3A_253 : i32
      %add3A_255 = arith.addi %mul3A_2, %mul3A_254 : i32
      %dma_start3A_256 = arith.constant 0 : i32
      %dma_start3A_257 = tpu.memref_slice %arg4[%add3A_255, %dma_start3A_256] : memref<32768x1024xf32, #tpu.memory_space<hbm>> -> memref<8x1024xf32, #tpu.memory_space<hbm>>
      %dma_start3A_258 = arith.constant 0 : i32
      %dma_start3A_259 = tpu.memref_slice %arg4[%add3A_255, %dma_start3A_258] : memref<32768x1024xf32, #tpu.memory_space<hbm>> -> memref<8x1024xf32, #tpu.memory_space<hbm>>
      tpu.enqueue_dma source(%arg13 : memref<8x1024xf32, #tpu.memory_space<vmem>>) target(%dma_start3A_259 : memref<8x1024xf32, #tpu.memory_space<hbm>>) target_semaphore(%arg29 : memref<!tpu.dma_semaphore, #tpu.memory_space<semaphore_mem>>)
      %ge3A_260 = arith.constant 1 : i32
      %ge3A_261 = arith.cmpi sge, %add3A_247, %ge3A_260 : i32
      %convert_element_type3A_262 = arith.extui %ge3A_261 : i1 to i32
      %cond3A_263 = arith.constant 0 : i32
      %cond3A_264 = arith.cmpi ne, %convert_element_type3A_262, %cond3A_263 : i32
      scf.if %cond3A_264 {
        %dma_wait3A_274 = arith.constant 0 : i32
        %dma_wait3A_275 = tpu.memref_slice %arg4[%mul3A_2, %dma_wait3A_274] : memref<32768x1024xf32, #tpu.memory_space<hbm>> -> memref<8x1024xf32, #tpu.memory_space<hbm>>
        %dma_wait3A_276 = arith.constant 0 : i32
        %dma_wait3A_277 = tpu.memref_slice %arg4[%mul3A_2, %dma_wait3A_276] : memref<32768x1024xf32, #tpu.memory_space<hbm>> -> memref<8x1024xf32, #tpu.memory_space<hbm>>
        tpu.wait_dma2 semaphore(%arg28 : memref<!tpu.dma_semaphore, #tpu.memory_space<semaphore_mem>>) src(%arg12 : memref<8x1024xf32, #tpu.memory_space<vmem>>) dst(%dma_wait3A_277 : memref<8x1024xf32, #tpu.memory_space<hbm>>)
      } else {
      }
      %add3A_265 = arith.constant 8 : i32
      %add3A_266 = arith.addi %add3A_247, %add3A_265 : i32
      %sub3A_267 = arith.constant 1 : i32
      %sub3A_268 = arith.subi %add3A_266, %sub3A_267 : i32
      %lt3A_269 = arith.constant 128 : i32
      %lt3A_270 = arith.cmpi slt, %sub3A_268, %lt3A_269 : i32
      %convert_element_type3A_271 = arith.extui %lt3A_270 : i1 to i32
      %cond3A_272 = arith.constant 0 : i32
      %cond3A_273 = arith.cmpi ne, %convert_element_type3A_271, %cond3A_272 : i32
      scf.if %cond3A_273 {
        %add3A_274 = arith.constant 8 : i32
        %add3A_275 = arith.addi %add3A_247, %add3A_274 : i32
        %sub3A_276 = arith.constant 1 : i32
        %sub3A_277 = arith.subi %add3A_275, %sub3A_276 : i32
        %mul3A_278 = arith.constant 8 : i32
        %mul3A_279 = arith.muli %sub3A_277, %mul3A_278 : i32
        %multiple_of3A_280 = tpu.assume_multiple %mul3A_279, 8 : i32
        %dma_start3A_281 = tpu.memref_slice %arg5[%multiple_of3A_280] : memref<1024xi32, #tpu.memory_space<vmem>> -> memref<8xi32, #tpu.memory_space<vmem>>
        %dma_start3A_282 = arith.constant 0 : i32
        %dma_start3A_283 = arith.constant 0 : i32
        %dma_start3A_284 = tpu.memref_slice %arg2[%dma_start3A_282, %dma_start3A_283] : memref<8192x1024xf32, #tpu.memory_space<hbm>> -> memref<8192x1024xf32, #tpu.memory_space<hbm>>
        tpu.enqueue_indirect_dma source(%dma_start3A_284 : memref<8192x1024xf32, #tpu.memory_space<hbm>>) target(%arg12 : memref<8x1024xf32, #tpu.memory_space<vmem>>) offsets(%dma_start3A_281 : memref<8xi32, #tpu.memory_space<vmem>>) semaphore(%arg20 : memref<!tpu.dma_semaphore, #tpu.memory_space<semaphore_mem>>)
      } else {
      }
    }
    %scan3A_46 = arith.constant 16 : i32
    %dma_wait3A = arith.constant 0 : i32
    %dma_wait3A_47 = tpu.memref_slice %arg4[%mul3A_2, %dma_wait3A] : memref<32768x1024xf32, #tpu.memory_space<hbm>> -> memref<8x1024xf32, #tpu.memory_space<hbm>>
    %dma_wait3A_48 = arith.constant 0 : i32
    %dma_wait3A_49 = tpu.memref_slice %arg4[%mul3A_2, %dma_wait3A_48] : memref<32768x1024xf32, #tpu.memory_space<hbm>> -> memref<8x1024xf32, #tpu.memory_space<hbm>>
    tpu.wait_dma2 semaphore(%arg29 : memref<!tpu.dma_semaphore, #tpu.memory_space<semaphore_mem>>) src(%arg13 : memref<8x1024xf32, #tpu.memory_space<vmem>>) dst(%dma_wait3A_49 : memref<8x1024xf32, #tpu.memory_space<hbm>>)
    return
  }
}

</mosaic_0001>

<sc_bundles>
// kernel: kernel.3.cloned.1.call-start
scs
__scs_entry_jumppad:
0x0: {  	(pc) =	sbr.rel $0x88, $3  }
0x1: {  	(tag) =	ssettag $0x0;
	lr =	simm.s32 $0x1  }
0x2: {  	[smem:$0x3F9F] =	sst lr;
	_ =	strace $0xD0000000  }
0x3: {  	_ = 	snop  }
0x4: {  	_ = 	snop  }
0x5: {  	_ = 	snop  }
0x6: {  	_ = 	snop  }
0x7: {  	_ = 	snop  }
__scs_overlays_trampoline_lowered:
0x8: {  	[smem:$0x3FAE] =	sst s0  }
0x9: {  	[smem:$0x3FAF] =	sst s1  }
0xa: {  	[smem:$0x3FB0] =	sst s2  }
0xb: {  	[smem:$0x3FB1] =	sst s3  }
0xc: {  	[smem:$0x3FB2] =	sst s4  }
0xd: {  	[smem:$0x3FB3] =	sst s5  }
0xe: {  	[smem:$0x3FB4] =	sst s6  }
0xf: {  	[smem:$0x3FB5] =	sst s7  }
0x10: {  	[smem:$0x3FB6] =	sst s8  }
0x11: {  	[smem:$0x3FB7] =	sst s9;
	s0 =	simm.s32 @!p0 $0x0  }
0x12: {  	s1 =	sld [smem:$0x3F9D];
	s0 =	simm.s32 @p0 $0x1  }
0x13: {  	[smem:$0x3FB8] =	sst s0;
	s0 =	simm.s32 @!p1 $0x0  }
0x14: {  	s2 =	sld [smem:$0x3F9C];
	s0 =	simm.s32 @p1 $0x1  }
0x15: {  	[smem:$0x3FB9] =	sst s0;
	s0 =	simm.s32 @!p2 $0x0  }
0x16: {  	s3 =	sld [smem:$0x3FDB];
	s0 =	simm.s32 @p2 $0x1  }
0x17: {  	s4 =	simm.s32 $0x1BF5;
	[smem:$0x3FBB] =	sst s0  }
0x18: {  	s0 =	sld [smem:$0x3F9E];
	_ =	swait.ge [sflag:s4], $0x0  }
0x19: {  	s7 =	sld [smem:$0x3F9F]  }
0x1a: {  	s8 =	sadd.s32 $0xFFFFE003, lr  }
0x1b: {  	s9 =	sadd.s32 $0xFFFFFEF7, lr;
	s5 =	simm.s32 $0xFFFFFFFF;
	p2 =	slt.u32 s8, $0xFFFFF086  }
0x1c: {  	p1 =	slt.u32 s9, $0xF7A;
	s5 =	simm.s32 @!p2 $0x0  }
0x1d: {  	s5 =	simm.s32 @p1 $0x1;
	p0 =	seq.s32 s7, s2  }
0x1e: {  	s7 =	smul.u32 @!p0 $0xF7A, s2;
	p2 =	seq.s32 @!p0 s5, $0x0  }
0x1f: {  	s9 =	smul.u32 $0xF7A, s1;
	s8 =	simm.s32 @!p0 $0x1BF5;
	p2 =	por !p2, p0  }
0x20: {  	[sflag:s8] =	ssyncset.s32 @!p0 $0xFFFFF086;
	s6 =	sadd.s32 @!p0 s3, s7;
	s7 =	simm.s32 @!p0 $0x108  }
0x21: {  	s3 =	sadd.s32 s3, s9;
	s6 =	sadd.s32 @!p0 $0x88, s6;
	s7 =	simm.s32 @p2 $0x1082  }
0x22: {  	[simem:s7], [sflag:s8] =	dma.local @!p0 [hbm:s6], $0xF7A  }
0x23: {  	s9 =	sor.u32 $0xD0000000, s2;
	s6 =	simm.s32 $0x108;
	_ =	swait.ge @!p0 [sflag:s8], $0x0  }
0x24: {  	s3 =	sadd.s32 $0x88, s3;
	s6 =	simm.s32 @!p1 $0x1082;
	[sflag:s4] =	ssyncset.s32 $0xFFFFF086  }
0x25: {  	[simem:s6], [sflag:s4] =	dma.local [hbm:s3], $0xF7A  }
0x26: {  	[smem:$0x3F9F] =	sst s1;
	(tag) =	ssettag s2;
	_ =	strace s9  }
0x27: {  	s1 =	sld [smem:$0x3FAF]  }
0x28: {  	s2 =	sld [smem:$0x3FB0]  }
0x29: {  	s4 =	sld [smem:$0x3FB2]  }
0x2a: {  	p0 =	seq.s32 s5, $0x0;
	s5 =	sld [smem:$0x3FB3]  }
0x2b: {  	s6 =	sld [smem:$0x3FB4]  }
0x2c: {  	s7 =	sld [smem:$0x3FB5]  }
0x2d: {  	s3 =	simm.s32 $0x108;
	s8 =	sld [smem:$0x3FB6]  }
0x2e: {  	s3 =	simm.s32 @!p0 $0x1082;
	s9 =	sld [smem:$0x3FB7]  }
0x2f: {  	lr =	sadd.s32 s0, s3;
	s0 =	sld [smem:$0x3FAE]  }
0x30: {  	s3 =	sld [smem:$0x3FB1]  }
0x31: {  	[smem:$0x3FBA] =	sst s10  }
0x32: {  	s10 =	sld [smem:$0x3FB8];
	_ =	sdelay $0x3  }
0x33: {  	p0 =	seq.s32 s10, $0x1;
	s10 =	sld [smem:$0x3FBA];
	_ =	sdelay $0x3  }
0x34: {  	[smem:$0x3FBA] =	sst s10  }
0x35: {  	s10 =	sld [smem:$0x3FB9];
	_ =	sdelay $0x3  }
0x36: {  	p1 =	seq.s32 s10, $0x1;
	s10 =	sld [smem:$0x3FBA];
	_ =	sdelay $0x3  }
0x37: {  	[smem:$0x3FBA] =	sst s10  }
0x38: {  	s10 =	sld [smem:$0x3FBB]  }
0x39: {  	_ = 	snop;
	(pc) =	sbr.ind lr, $3  }
0x3a: {  	_ = 	snop  }
0x3b: {  	_ = 	snop  }
0x3c: {  	p2 =	seq.s32 s10, $0x1;
	s10 =	sld [smem:$0x3FBA]  }
0x3d: {  	_ =	shalt  }
0x3e: {  	_ =	shalt  }
0x3f: {  	_ =	shalt  }
0x40: {  	_ =	shalt  }
0x41: {  	_ =	shalt  }
0x42: {  	_ =	shalt  }
0x43: {  	_ =	shalt  }
0x44: {  	_ =	shalt  }
0x45: {  	_ =	shalt  }
0x46: {  	_ =	shalt  }
0x47: {  	_ =	shalt  }
0x48: {  	_ =	shalt  }
0x49: {  	_ =	shalt  }
0x4a: {  	_ =	shalt  }
0x4b: {  	_ =	shalt  }
0x4c: {  	_ =	shalt  }
0x4d: {  	_ =	shalt  }
0x4e: {  	_ =	shalt  }
0x4f: {  	_ =	shalt  }
0x50: {  	_ =	shalt  }
0x51: {  	_ =	shalt  }
0x52: {  	_ =	shalt  }
0x53: {  	_ =	shalt  }
0x54: {  	_ =	shalt  }
0x55: {  	_ =	shalt  }
0x56: {  	_ =	shalt  }
0x57: {  	_ =	shalt  }
0x58: {  	_ =	shalt  }
0x59: {  	_ =	shalt  }
0x5a: {  	_ =	shalt  }
0x5b: {  	_ =	shalt  }
0x5c: {  	_ =	shalt  }
0x5d: {  	_ =	shalt  }
0x5e: {  	_ =	shalt  }
0x5f: {  	_ =	shalt  }
0x60: {  	_ =	shalt  }
0x61: {  	_ =	shalt  }
0x62: {  	_ =	shalt  }
0x63: {  	_ =	shalt  }
0x64: {  	_ =	shalt  }
0x65: {  	_ =	shalt  }
0x66: {  	_ =	shalt  }
0x67: {  	_ =	shalt  }
0x68: {  	_ =	shalt  }
0x69: {  	_ =	shalt  }
0x6a: {  	_ =	shalt  }
0x6b: {  	_ =	shalt  }
0x6c: {  	_ =	shalt  }
0x6d: {  	_ =	shalt  }
0x6e: {  	_ =	shalt  }
0x6f: {  	_ =	shalt  }
0x70: {  	_ =	shalt  }
0x71: {  	_ =	shalt  }
0x72: {  	_ =	shalt  }
0x73: {  	_ =	shalt  }
0x74: {  	_ =	shalt  }
0x75: {  	_ =	shalt  }
0x76: {  	_ =	shalt  }
0x77: {  	_ =	shalt  }
0x78: {  	_ =	shalt  }
0x79: {  	_ =	shalt  }
0x7a: {  	_ =	shalt  }
0x7b: {  	_ =	shalt  }
0x7c: {  	_ =	shalt  }
0x7d: {  	_ =	shalt  }
0x7e: {  	_ =	shalt  }
0x7f: {  	_ =	shalt  }
0x80: {  	_ =	shalt  }
0x81: {  	_ =	shalt  }
0x82: {  	_ =	shalt  }
0x83: {  	_ =	shalt  }
0x84: {  	_ =	shalt  }
0x85: {  	_ =	shalt  }
0x86: {  	_ =	shalt  }
0x87: {  	_ =	shalt  }
.Lfunc_end0:
.L_simem_size_0:
called_computation_lowered:
.L_overlay_start_0:
0x88: {  	s2 =	sld [smem:$0x3FD9]  }
0x89: {  	s3 =	sld [smem:$0x3FFE];
	_ =	sdelay $0x1  }
0x8a: {  	s1 =	srdreg.scid  }
0x8b: {  	s0 =	sand.u32 $0x1, s1  }
0x8c: {  	s17 =	sshll.u32 s0, $0xA;
	s2 =	sadd.s32 s3, s2  }
0x8d: {  	s2 =	sadd.s32 s2, s17  }
0x8e: {  	[smem:$0x3FC6] =	sst s2  }
0x8f: {  	_ = 	snop  }
0x90: {  	s2 =	sld [smem:$0x3FC8]  }
0x91: {  	s18 =	sld [smem:$0x3FD0];
	(tm) =	ssettm $0x1  }
0x92: {  	s4 =	sld [smem:$0x3FFB];
	_ =	sdelay $0x3  }
0x93: {  	_ =	strace s4  }
0x94: {  	s4 =	sld [smem:$0x3FFC];
	_ =	sdelay $0x3  }
0x95: {  	_ =	strace s4  }
0x96: {  	s4 =	sld [smem:$0x3FFD];
	_ =	sdelay $0x3  }
0x97: {  	_ =	strace s4  }
0x98: {  	_ =	strace $0x8FFFFFFF  }
0x99: {  	s19 =	sld [smem:$0x3FDB];
	_ =	sdelay $0x1  }
0x9a: {  	s5 =	simm.s32 $_scs_section_size  }
0x9b: {  	s6 =	simm.s32 $_size__tile_overlayer_lowered;
	s7 =	simm.s32 $_tile_overlayer_lowered  }
0x9c: {  	s22 =	simm.s32 $0x1BFF;
	s21 =	sshll.u32 s7, $0x1;
	s4 =	sadd.s32 s5, s19  }
0x9d: {  	s8 =	simm.s32 $0x0;
	s20 =	sshll.u32 s6, $0x1;
	s6 =	sadd.s32 s21, s4  }
0x9e: {  	[timem:s8], [sflag:s22] =	dma.local [hbm:s6], s20  }
0x9f: {  	_ =	swait.ge [sflag:s22], s20  }
0xa0: {  	s5 =	ssub.s32 $0x0, s20;
	[sflag:s22] =	ssyncset.done $0x0  }
0xa1: {  	[sflag:s22] =	ssyncadd.s32 s5;
	_ =	sdelay $0x1  }
0xa2: {  	s23 =	simm.s32 $0x1B8B  }
0xa3: {  	_ =	swait.ge [sflag:s23], $0x1  }
0xa4: {  	[sflag:s23] =	ssyncset.done $0x0  }
0xa5: {  	s25 =	simm.s32 $0x1B8E;
	s24 =	sld [smem:$0x3FFE];
	[sflag:s23] =	ssyncadd.s32 $0xFFFFFFFF  }
0xa6: {  	s26 =	simm.s32 $execute0_lowered;
	[smem:$0x3FD2] =	sst s25  }
0xa7: {  	s6 =	sshll.u32 s26, $0x1;
	_ =	strace $0x80000046;
	[dreg:$0x1] =	wrdreg $0xFFFFFFFF  }
0xa8: {  	s28 =	simm.s32 $_size_execute0_lowered;
	s4 =	sadd.s32 s4, s6;
	[dreg:$0x0] =	wrdreg $0x0  }
0xa9: {  	s6 =	sshll.u32 s28, $0x1;
	[dreg:$0x2] =	wrdreg s4  }
0xaa: {  	[dreg:$0x3] =	wrdreg s6  }
0xab: {  	[dreg:$0x4] =	wrdreg $0xC0  }
0xac: {  	_ =	task [dreg:s8], $0x5FFFF  }
0xad: {  	[dreg:$0x1] =	wrdreg $0xFFFFFFFF  }
0xae: {  	[dreg:$0x0] =	wrdreg $0x60  }
0xaf: {  	[dreg:$0x2] =	wrdreg s2  }
0xb0: {  	[dreg:$0x3] =	wrdreg s24  }
0xb1: {  	[dreg:$0x4] =	wrdreg s18  }
0xb2: {  	[dreg:$0x5] =	wrdreg $0x9  }
0xb3: {  	_ =	task.clear_ibuf [dreg:s8], $0x6FFFF;
	_ =	strace $0x90000046  }
0xb4: {  	s29 =	simm.s32 $0x9;
	_ =	strace $0x80000048  }
0xb5: {  	_ =	swait.ge [sflag:s29], $0x1  }
0xb6: {  	[sflag:s29] =	ssyncadd.s32 $0xFFFFFFFF  }
0xb7: {  	_ =	strace $0x90000048  }
0xb8: {  	_ =	sfence  }
0xb9: {  	s30 =	sld [smem:$0x0];
	_ =	sdelay $0x2  }
0xba: {  	s31 =	sshll.u32 s1, $0xD;
	s1 =	sshrl.u32 s1, $0x2  }
0xbb: {  	s3 =	sand.u32 $0x4000, s31;
	s1 =	sadd.s32 s1, s30  }
0xbc: {  	s0 =	sor.u32 s3, s0;
	s1 =	sshll.u32 s1, $0x11  }
0xbd: {  	s0 =	sor.u32 s1, s0  }
0xbe: {  	s0 =	sadd.s32 $0x8F2B, s0  }
0xbf: {  	[sflag:s0] =	ssyncadd.remote.s32 $0x1  }
0xc0: {  	_ =	sfence.sel $0xFFFF  }
0xc1: {  	[dreg:$0x0] =	wrdreg $0xFFFFFFFF;
	(pc) =	sbr.abs _section_cstart, $3  }
0xc2: {  	[dreg:$0x1] =	wrdreg $0xFFFFFFFF  }
0xc3: {  	_ =	task.clear_ibuf [dreg:s8], $0x2FFFF;
	_ =	strace $0x9FFFFFFF  }
0xc4: {  	(tm) =	ssettm $0x7FFFFFFF  }
0xc5: {  	_ =	shalt  }
tec
execute0_lowered:
.L_overlay_start_1:
0x0: {  	(tag) =	ssettag $0x1  }
0x1: {  	s1 =	rddreg [dreg:$0x0];
	s0 =	srdreg.scid  }
0x2: {  	s2 =	rddreg [dreg:$0x1];
	s9 =	stileid.u32  }
0x3: {  	s4 =	rddreg [dreg:$0x2];
	s3 =	simm.s32 $0x0;
	s14 =	simm.s32 $0xC400  }
0x4: {  	s20 =	simm.s32 $0x1;
	s21 =	simm.s32 $0xE400;
	s24 =	simm.s32 $0xF400  }
0x5: {  	s29 =	simm.s32 $0x9;
	s30 =	simm.s32 $0x3;
	s31 =	simm.s32 $0xA  }
0x6: {  	s12 =	simm.s32 $0xB;
	s13 =	simm.s32 $0x5;
	s10 =	simm.s32 $0xD  }
0x7: {  	s11 =	simm.s32 $0x7;
	s15 =	simm.s32 $0xE;
	s19 =	simm.s32 $0x8  }
0x8: {  	s23 =	simm.s32 $0xF;
	s17 =	simm.s32 $0x0;
	s0 =	sand.u32 $0x1, s0  }
0x9: {  	s5 =	sshll.u32 s9, $0xB;
	[smem:$0x7FF] =	sst s3;
	s7 =	sadd.s32 $0x300, s1  }
0xa: {  	s28 =	sshll.u32 s9, $0x12;
	s6 =	sshll.u32 s0, $0xA;
	s25 =	ssub.s32 $0x2, s0  }
0xb: {  	_ =	strace $0x80000047;
	s0 =	sshll.u32 s0, $0x11;
	s5 =	sor.u32 s6, s5  }
0xc: {  	s26 =	sshrl.u32 s25, $0x1;
	s6 =	sadd.s32 $0x200, s1;
	s5 =	sshrl.u32 s5, $0x3  }
.Ltmp0:
0xd: {  	s8 =	ssub.s32 s25, s26;
	s25 =	simm.s32 $0xFC00;
	(pc) =	sbr.rel .LBB2_1-.Ltmp0, $4  }
0xe: {  	s26 =	simm.s32 $0x2;
	s2 =	sadd.s32 s5, s2;
	s8 =	smax.u32 s8, $0x1  }
0xf: {  	v0 =	vlaneseq.u32;
	s5 =	sadd.s32 $0x100, s1;
	s2 =	sadd.s32 $0x400, s2;
	[dreg:$0x5] =	wrdreg s8  }
0x10: {  	v1 =	vshrl.u32 v0, $0x3;
	s8 =	simm.s32 $0x6;
	[dreg:$0x4] =	wrdreg s2;
	s2 =	sadd.s32 s28, s4  }
0x11: {  	vm0 =	vmmov $0xffff;
	v0 =	vand.u32 $0x7, v0;
	v1 =	vmul.u32 $0x8, v1;
	s4 =	simm.s32 $0xC;
	s9 =	sadd.s32 s0, s2;
	s0 =	simm.s32 $0x4  }
.LBB2_4:
0x12: {  	s2 =	simm.s32 $0x10  }
0x13: {  	_ =	swait.ge [sflag:s2], $0x2000  }
0x14: {  	s17 =	rddreg [dreg:$0x6]  }
0x15: {  	s16 =	rddreg [dreg:$0x5];
	s17 =	sadd.s32 $0x1, s17  }
0x16: {  	p0 =	sne.s32 s17, s16  }
.Ltmp1:
0x17: {  	_ = 	snop;
	(pc) =	sbr.rel @!p0 .LBB2_5-.Ltmp1, $3  }
0x18: {  	_ =	sdelay $0x1  }
0x19: {  	[sflag:s2] =	ssyncset.done $0x0  }
0x1a: {  	[sflag:s2] =	ssyncadd.s32 $0xFFFFE000  }
.LBB2_1:
0x1b: {  	[dreg:$0x6] =	wrdreg s17  }
0x1c: {  	s16 =	rddreg [dreg:$0x4];
	s22 =	simm.s32 $0x11  }
0x1d: {  	[tilespmem:s3], [sflag:$0x11] =	stream.linear.gather [hbm4b:s16+s3], $0x400, $0x38;
	[tilespmem:$0x10400] =	vst v63  }
0x1e: {  	_ =	swait.ge [sflag:s22], $0x400  }
0x1f: {  	[sflag:s22] =	ssyncset.done $0x0  }
0x20: {  	[sflag:s22] =	ssyncadd.s32 $0xFFFFFC00  }
0x21: {  	v2 =	vld.msk [tilespmem:$0x0], $0xff;
	_ =	sdelay $0x4  }
0x22: {  	v3 =	vshll.u32 v2, $0x3  }
0x23: {  	v2 =	vand.u32 $0x7, v2;
	v3 =	vand.u32 $0xFFFFFFC0, v3  }
0x24: {  	v2 =	vor.u32 v2, v3  }
0x25: {  	v2 =	vperm.xlane v2, v0;
	_ =	sdelay $0x1  }
0x26: {  	v2 =	vadd.s32 v1, v2;
	_ =	sdelay $0x3  }
0x27: {  	s28 =	simm.s32 $0x400  }
0x28: {  	[tilespmem:s28], [sflag:$0x1] =	stream.indirect_vreg.gather [hbm4b:s1+s3], $0x80, v2, vm0, $0xb8;
	[tilespmem:$0x10400] =	vst v63  }
0x29: {  	s2 =	simm.s32 $0xC00  }
0x2a: {  	[tilespmem:s2], [sflag:$0x1] =	stream.indirect_vreg.gather [hbm4b:s5+s3], $0x80, v2, vm0, $0xb8;
	[tilespmem:$0x10400] =	vst v63  }
0x2b: {  	s17 =	simm.s32 $0x1400  }
0x2c: {  	[tilespmem:s17], [sflag:$0x1] =	stream.indirect_vreg.gather [hbm4b:s6+s3], $0x80, v2, vm0, $0xb8;
	[tilespmem:$0x10400] =	vst v63  }
0x2d: {  	s18 =	simm.s32 $0x1C00  }
0x2e: {  	[tilespmem:s18], [sflag:$0x1] =	stream.indirect_vreg.gather [hbm4b:s7+s3], $0x80, v2, vm0, $0xb8;
	[tilespmem:$0x10400] =	vst v63  }
0x2f: {  	v2 =	vld.msk [tilespmem:$0x8], $0xff;
	_ =	sdelay $0x4  }
0x30: {  	v3 =	vshll.u32 v2, $0x3  }
0x31: {  	v2 =	vand.u32 $0x7, v2;
	v3 =	vand.u32 $0xFFFFFFC0, v3  }
0x32: {  	v2 =	vor.u32 v2, v3  }
0x33: {  	v2 =	vperm.xlane v2, v0;
	_ =	sdelay $0x1  }
0x34: {  	v2 =	vadd.s32 v1, v2;
	_ =	sdelay $0x3  }
0x35: {  	s22 =	simm.s32 $0x2400  }
0x36: {  	[tilespmem:s22], [sflag:$0x2] =	stream.indirect_vreg.gather [hbm4b:s1+s3], $0x80, v2, vm0, $0xb8;
	[tilespmem:$0x10400] =	vst v63  }
0x37: {  	s28 =	simm.s32 $0x2C00  }
0x38: {  	[tilespmem:s28], [sflag:$0x2] =	stream.indirect_vreg.gather [hbm4b:s5+s3], $0x80, v2, vm0, $0xb8;
	[tilespmem:$0x10400] =	vst v63  }
0x39: {  	s2 =	simm.s32 $0x3400  }
0x3a: {  	[tilespmem:s2], [sflag:$0x2] =	stream.indirect_vreg.gather [hbm4b:s6+s3], $0x80, v2, vm0, $0xb8;
	[tilespmem:$0x10400] =	vst v63  }
0x3b: {  	s17 =	simm.s32 $0x3C00  }
0x3c: {  	[tilespmem:s17], [sflag:$0x2] =	stream.indirect_vreg.gather [hbm4b:s7+s3], $0x80, v2, vm0, $0xb8;
	[tilespmem:$0x10400] =	vst v63  }
0x3d: {  	v2 =	vld.msk [tilespmem:$0x10], $0xff;
	_ =	sdelay $0x4  }
0x3e: {  	v3 =	vshll.u32 v2, $0x3  }
0x3f: {  	v2 =	vand.u32 $0x7, v2;
	v3 =	vand.u32 $0xFFFFFFC0, v3  }
0x40: {  	v2 =	vor.u32 v2, v3  }
0x41: {  	v2 =	vperm.xlane v2, v0;
	_ =	sdelay $0x1  }
0x42: {  	v2 =	vadd.s32 v1, v2;
	_ =	sdelay $0x3  }
0x43: {  	s18 =	simm.s32 $0x4400  }
0x44: {  	[tilespmem:s18], [sflag:$0x3] =	stream.indirect_vreg.gather [hbm4b:s1+s3], $0x80, v2, vm0, $0xb8;
	[tilespmem:$0x10400] =	vst v63  }
0x45: {  	s2 =	simm.s32 $0x4C00  }
0x46: {  	[tilespmem:s2], [sflag:$0x3] =	stream.indirect_vreg.gather [hbm4b:s5+s3], $0x80, v2, vm0, $0xb8;
	[tilespmem:$0x10400] =	vst v63  }
0x47: {  	s22 =	simm.s32 $0x5400  }
0x48: {  	[tilespmem:s22], [sflag:$0x3] =	stream.indirect_vreg.gather [hbm4b:s6+s3], $0x80, v2, vm0, $0xb8;
	[tilespmem:$0x10400] =	vst v63  }
0x49: {  	s28 =	simm.s32 $0x5C00  }
0x4a: {  	[tilespmem:s28], [sflag:$0x3] =	stream.indirect_vreg.gather [hbm4b:s7+s3], $0x80, v2, vm0, $0xb8;
	[tilespmem:$0x10400] =	vst v63  }
0x4b: {  	v2 =	vld.msk [tilespmem:$0x18], $0xff;
	_ =	sdelay $0x4  }
0x4c: {  	v3 =	vshll.u32 v2, $0x3  }
0x4d: {  	v2 =	vand.u32 $0x7, v2;
	v3 =	vand.u32 $0xFFFFFFC0, v3  }
0x4e: {  	v2 =	vor.u32 v2, v3  }
0x4f: {  	v2 =	vperm.xlane v2, v0;
	_ =	sdelay $0x1  }
0x50: {  	v2 =	vadd.s32 v1, v2;
	_ =	sdelay $0x3  }
0x51: {  	s16 =	simm.s32 $0x6400  }
0x52: {  	[tilespmem:s16], [sflag:$0x4] =	stream.indirect_vreg.gather [hbm4b:s1+s3], $0x80, v2, vm0, $0xb8;
	[tilespmem:$0x10400] =	vst v63  }
0x53: {  	s17 =	simm.s32 $0x6C00  }
0x54: {  	[tilespmem:s17], [sflag:$0x4] =	stream.indirect_vreg.gather [hbm4b:s5+s3], $0x80, v2, vm0, $0xb8;
	[tilespmem:$0x10400] =	vst v63  }
0x55: {  	s18 =	simm.s32 $0x7400  }
0x56: {  	[tilespmem:s18], [sflag:$0x4] =	stream.indirect_vreg.gather [hbm4b:s6+s3], $0x80, v2, vm0, $0xb8;
	[tilespmem:$0x10400] =	vst v63  }
0x57: {  	s22 =	simm.s32 $0x7C00  }
0x58: {  	[tilespmem:s22], [sflag:$0x4] =	stream.indirect_vreg.gather [hbm4b:s7+s3], $0x80, v2, vm0, $0xb8;
	[tilespmem:$0x10400] =	vst v63  }
0x59: {  	v2 =	vld.msk [tilespmem:$0x20], $0xff;
	_ =	sdelay $0x4  }
0x5a: {  	v3 =	vshll.u32 v2, $0x3  }
0x5b: {  	v2 =	vand.u32 $0x7, v2;
	v3 =	vand.u32 $0xFFFFFFC0, v3  }
0x5c: {  	v2 =	vor.u32 v2, v3  }
0x5d: {  	v2 =	vperm.xlane v2, v0;
	_ =	sdelay $0x1  }
0x5e: {  	v2 =	vadd.s32 v1, v2;
	_ =	sdelay $0x3  }
0x5f: {  	s28 =	simm.s32 $0x8400  }
0x60: {  	[tilespmem:s28], [sflag:$0x5] =	stream.indirect_vreg.gather [hbm4b:s1+s3], $0x80, v2, vm0, $0xb8;
	[tilespmem:$0x10400] =	vst v63  }
0x61: {  	s16 =	simm.s32 $0x8C00  }
0x62: {  	[tilespmem:s16], [sflag:$0x5] =	stream.indirect_vreg.gather [hbm4b:s5+s3], $0x80, v2, vm0, $0xb8;
	[tilespmem:$0x10400] =	vst v63  }
0x63: {  	s17 =	simm.s32 $0x9400  }
0x64: {  	[tilespmem:s17], [sflag:$0x5] =	stream.indirect_vreg.gather [hbm4b:s6+s3], $0x80, v2, vm0, $0xb8;
	[tilespmem:$0x10400] =	vst v63  }
0x65: {  	s18 =	simm.s32 $0x9C00  }
0x66: {  	[tilespmem:s18], [sflag:$0x5] =	stream.indirect_vreg.gather [hbm4b:s7+s3], $0x80, v2, vm0, $0xb8;
	[tilespmem:$0x10400] =	vst v63  }
0x67: {  	v2 =	vld.msk [tilespmem:$0x28], $0xff;
	_ =	sdelay $0x4  }
0x68: {  	v3 =	vshll.u32 v2, $0x3  }
0x69: {  	v2 =	vand.u32 $0x7, v2;
	v3 =	vand.u32 $0xFFFFFFC0, v3  }
0x6a: {  	v2 =	vor.u32 v2, v3  }
0x6b: {  	v2 =	vperm.xlane v2, v0;
	_ =	sdelay $0x1  }
0x6c: {  	v2 =	vadd.s32 v1, v2;
	_ =	sdelay $0x3  }
0x6d: {  	s22 =	simm.s32 $0xA400  }
0x6e: {  	[tilespmem:s22], [sflag:$0x6] =	stream.indirect_vreg.gather [hbm4b:s1+s3], $0x80, v2, vm0, $0xb8;
	[tilespmem:$0x10400] =	vst v63  }
0x6f: {  	s28 =	simm.s32 $0xAC00  }
0x70: {  	[tilespmem:s28], [sflag:$0x6] =	stream.indirect_vreg.gather [hbm4b:s5+s3], $0x80, v2, vm0, $0xb8;
	[tilespmem:$0x10400] =	vst v63  }
0x71: {  	s16 =	simm.s32 $0xB400  }
0x72: {  	[tilespmem:s16], [sflag:$0x6] =	stream.indirect_vreg.gather [hbm4b:s6+s3], $0x80, v2, vm0, $0xb8;
	[tilespmem:$0x10400] =	vst v63  }
0x73: {  	s17 =	simm.s32 $0xBC00  }
0x74: {  	[tilespmem:s17], [sflag:$0x6] =	stream.indirect_vreg.gather [hbm4b:s7+s3], $0x80, v2, vm0, $0xb8;
	[tilespmem:$0x10400] =	vst v63  }
0x75: {  	v2 =	vld.msk [tilespmem:$0x30], $0xff;
	_ =	sdelay $0x4  }
0x76: {  	v3 =	vshll.u32 v2, $0x3  }
0x77: {  	v2 =	vand.u32 $0x7, v2;
	v3 =	vand.u32 $0xFFFFFFC0, v3  }
0x78: {  	v2 =	vor.u32 v2, v3  }
0x79: {  	v2 =	vperm.xlane v2, v0;
	_ =	sdelay $0x1  }
0x7a: {  	v2 =	vadd.s32 v1, v2;
	_ =	sdelay $0x4  }
0x7b: {  	[tilespmem:s14], [sflag:$0x7] =	stream.indirect_vreg.gather [hbm4b:s1+s3], $0x80, v2, vm0, $0xb8;
	[tilespmem:$0x10400] =	vst v63  }
0x7c: {  	s18 =	simm.s32 $0xCC00  }
0x7d: {  	[tilespmem:s18], [sflag:$0x7] =	stream.indirect_vreg.gather [hbm4b:s5+s3], $0x80, v2, vm0, $0xb8;
	[tilespmem:$0x10400] =	vst v63  }
0x7e: {  	s22 =	simm.s32 $0xD400  }
0x7f: {  	[tilespmem:s22], [sflag:$0x7] =	stream.indirect_vreg.gather [hbm4b:s6+s3], $0x80, v2, vm0, $0xb8;
	[tilespmem:$0x10400] =	vst v63  }
0x80: {  	s28 =	simm.s32 $0xDC00;
	s16 =	simm.s32 $0x70;
	s17 =	simm.s32 $0x0  }
0x81: {  	[tilespmem:s28], [sflag:$0x7] =	stream.indirect_vreg.gather [hbm4b:s7+s3], $0x80, v2, vm0, $0xb8;
	[tilespmem:$0x10400] =	vst v63  }
.LBB2_2:
0x82: {  	_ =	swait.ge [sflag:s20], $0x2000  }
0x83: {  	s28 =	sadd.s32 s17, s9;
	[sflag:s20] =	ssyncset.done $0x0  }
0x84: {  	s18 =	simm.s32 $0x400;
	p0 =	seq.s32 s17, $0x0;
	[sflag:s20] =	ssyncadd.s32 $0xFFFFE000  }
0x85: {  	[hbm4b:s28+s3] =	stream.linear.scatter [tilespmem:s18], [sflag:$0x9], $0x2000, $0x38;
	[tilespmem:$0x10400] =	vst v63  }
0x86: {  	s18 =	simm.s32 @!p0 $0x10  }
0x87: {  	_ =	swait.ge @!p0 [sflag:s18], $0x2000  }
0x88: {  	[sflag:s18] =	ssyncset.done @!p0 $0x0  }
0x89: {  	[sflag:s18] =	ssyncadd.s32 @!p0 $0xFFFFE000  }
0x8a: {  	v2 =	vld.msk [tilespmem:s16+$0xFFFFFFC8], $0xff;
	_ =	sdelay $0x4  }
0x8b: {  	v3 =	vshll.u32 v2, $0x3  }
0x8c: {  	v2 =	vand.u32 $0x7, v2;
	v3 =	vand.u32 $0xFFFFFFC0, v3  }
0x8d: {  	v2 =	vor.u32 v2, v3  }
0x8e: {  	v2 =	vperm.xlane v2, v0;
	_ =	sdelay $0x1  }
0x8f: {  	v2 =	vadd.s32 v1, v2;
	_ =	sdelay $0x4  }
0x90: {  	[tilespmem:s21], [sflag:$0x8] =	stream.indirect_vreg.gather [hbm4b:s1+s3], $0x80, v2, vm0, $0xb8;
	[tilespmem:$0x10400] =	vst v63  }
0x91: {  	s2 =	simm.s32 $0xEC00  }
0x92: {  	[tilespmem:s2], [sflag:$0x8] =	stream.indirect_vreg.gather [hbm4b:s5+s3], $0x80, v2, vm0, $0xb8;
	[tilespmem:$0x10400] =	vst v63  }
0x93: {  	_ = 	snop  }
0x94: {  	[tilespmem:s24], [sflag:$0x8] =	stream.indirect_vreg.gather [hbm4b:s6+s3], $0x80, v2, vm0, $0xb8;
	[tilespmem:$0x10400] =	vst v63  }
0x95: {  	_ = 	snop  }
0x96: {  	[tilespmem:s25], [sflag:$0x8] =	stream.indirect_vreg.gather [hbm4b:s7+s3], $0x80, v2, vm0, $0xb8;
	[tilespmem:$0x10400] =	vst v63  }
0x97: {  	_ =	swait.ge [sflag:s26], $0x2000  }
0x98: {  	[sflag:s26] =	ssyncset.done $0x0  }
0x99: {  	s22 =	simm.s32 $0x2400;
	s2 =	sadd.s32 $0x400, s28;
	[sflag:s26] =	ssyncadd.s32 $0xFFFFE000  }
0x9a: {  	[hbm4b:s2+s3] =	stream.linear.scatter [tilespmem:s22], [sflag:$0xA], $0x2000, $0x38;
	[tilespmem:$0x10400] =	vst v63  }
0x9b: {  	_ =	swait.ge [sflag:s29], $0x2000  }
0x9c: {  	[sflag:s29] =	ssyncset.done $0x0  }
0x9d: {  	p0 =	seq.s32 s17, $0x1E000;
	[sflag:s29] =	ssyncadd.s32 $0xFFFFE000  }
0x9e: {  	v2 =	vld.msk @!p0 [tilespmem:s16+$0xFFFFFFD0], $0xff;
	_ =	sdelay $0x4  }
0x9f: {  	v3 =	vshll.u32 @!p0 v2, $0x3  }
0xa0: {  	v4 =	vlaneseq.u32 @!p0;
	v2 =	vand.u32 @!p0 $0x7, v2;
	v3 =	vand.u32 @!p0 $0xFFFFFFC0, v3  }
0xa1: {  	v2 =	vor.u32 @!p0 v2, v3;
	v3 =	vand.u32 @!p0 $0x7, v4;
	v4 =	vshrl.u32 @!p0 v4, $0x3  }
0xa2: {  	v2 =	vperm.xlane @!p0 v2, v3;
	v4 =	vmul.u32 @!p0 $0x8, v4;
	_ =	sdelay $0x1  }
0xa3: {  	v2 =	vadd.s32 @!p0 v4, v2;
	_ =	sdelay $0x3  }
0xa4: {  	vm1 =	vmmov @!p0 $0xffff;
	s18 =	simm.s32 @!p0 $0x0;
	s22 =	simm.s32 @!p0 $0x400  }
0xa5: {  	[tilespmem:s22], [sflag:$0x1] =	stream.indirect_vreg.gather @!p0 [hbm4b:s1+s18], $0x80, v2, vm1, $0xb8;
	[tilespmem:$0x10400] =	vst v63  }
0xa6: {  	s22 =	simm.s32 @!p0 $0xC00  }
0xa7: {  	[tilespmem:s22], [sflag:$0x1] =	stream.indirect_vreg.gather @!p0 [hbm4b:s5+s18], $0x80, v2, vm1, $0xb8;
	[tilespmem:$0x10400] =	vst v63  }
0xa8: {  	s22 =	simm.s32 @!p0 $0x1400  }
0xa9: {  	[tilespmem:s22], [sflag:$0x1] =	stream.indirect_vreg.gather @!p0 [hbm4b:s6+s18], $0x80, v2, vm1, $0xb8;
	[tilespmem:$0x10400] =	vst v63  }
0xaa: {  	s22 =	simm.s32 @!p0 $0x1C00  }
0xab: {  	[tilespmem:s22], [sflag:$0x1] =	stream.indirect_vreg.gather @!p0 [hbm4b:s7+s18], $0x80, v2, vm1, $0xb8;
	[tilespmem:$0x10400] =	vst v63  }
0xac: {  	_ =	swait.ge [sflag:s30], $0x2000  }
0xad: {  	[sflag:s30] =	ssyncset.done $0x0  }
0xae: {  	s2 =	simm.s32 $0x4400;
	s22 =	sadd.s32 $0x800, s28;
	[sflag:s30] =	ssyncadd.s32 $0xFFFFE000  }
0xaf: {  	[hbm4b:s22+s3] =	stream.linear.scatter [tilespmem:s2], [sflag:$0xB], $0x2000, $0x38;
	[tilespmem:$0x10400] =	vst v63  }
0xb0: {  	_ =	swait.ge [sflag:s31], $0x2000  }
0xb1: {  	[sflag:s31] =	ssyncset.done $0x0  }
0xb2: {  	[sflag:s31] =	ssyncadd.s32 $0xFFFFE000  }
0xb3: {  	v2 =	vld.msk @!p0 [tilespmem:s16+$0xFFFFFFD8], $0xff;
	_ =	sdelay $0x4  }
0xb4: {  	v5 =	vshll.u32 @!p0 v2, $0x3  }
0xb5: {  	v2 =	vand.u32 @!p0 $0x7, v2;
	v5 =	vand.u32 @!p0 $0xFFFFFFC0, v5  }
0xb6: {  	v2 =	vor.u32 @!p0 v2, v5  }
0xb7: {  	v2 =	vperm.xlane @!p0 v2, v3;
	_ =	sdelay $0x1  }
0xb8: {  	v2 =	vadd.s32 @!p0 v4, v2;
	_ =	sdelay $0x3  }
0xb9: {  	s22 =	simm.s32 @!p0 $0x2400  }
0xba: {  	[tilespmem:s22], [sflag:$0x2] =	stream.indirect_vreg.gather @!p0 [hbm4b:s1+s18], $0x80, v2, vm1, $0xb8;
	[tilespmem:$0x10400] =	vst v63  }
0xbb: {  	s22 =	simm.s32 @!p0 $0x2C00  }
0xbc: {  	[tilespmem:s22], [sflag:$0x2] =	stream.indirect_vreg.gather @!p0 [hbm4b:s5+s18], $0x80, v2, vm1, $0xb8;
	[tilespmem:$0x10400] =	vst v63  }
0xbd: {  	s22 =	simm.s32 @!p0 $0x3400  }
0xbe: {  	[tilespmem:s22], [sflag:$0x2] =	stream.indirect_vreg.gather @!p0 [hbm4b:s6+s18], $0x80, v2, vm1, $0xb8;
	[tilespmem:$0x10400] =	vst v63  }
0xbf: {  	s22 =	simm.s32 @!p0 $0x3C00  }
0xc0: {  	[tilespmem:s22], [sflag:$0x2] =	stream.indirect_vreg.gather @!p0 [hbm4b:s7+s18], $0x80, v2, vm1, $0xb8;
	[tilespmem:$0x10400] =	vst v63  }
0xc1: {  	_ =	swait.ge [sflag:s0], $0x2000  }
0xc2: {  	[sflag:s0] =	ssyncset.done $0x0  }
0xc3: {  	s2 =	simm.s32 $0x6400;
	s22 =	sadd.s32 $0xC00, s28;
	[sflag:s0] =	ssyncadd.s32 $0xFFFFE000  }
0xc4: {  	[hbm4b:s22+s3] =	stream.linear.scatter [tilespmem:s2], [sflag:$0xC], $0x2000, $0x38;
	[tilespmem:$0x10400] =	vst v63  }
0xc5: {  	_ =	swait.ge [sflag:s12], $0x2000  }
0xc6: {  	[sflag:s12] =	ssyncset.done $0x0  }
0xc7: {  	[sflag:s12] =	ssyncadd.s32 $0xFFFFE000  }
0xc8: {  	v2 =	vld.msk @!p0 [tilespmem:s16+$0xFFFFFFE0], $0xff;
	_ =	sdelay $0x4  }
0xc9: {  	v5 =	vshll.u32 @!p0 v2, $0x3  }
0xca: {  	v2 =	vand.u32 @!p0 $0x7, v2;
	v5 =	vand.u32 @!p0 $0xFFFFFFC0, v5  }
0xcb: {  	v2 =	vor.u32 @!p0 v2, v5  }
0xcc: {  	v2 =	vperm.xlane @!p0 v2, v3;
	_ =	sdelay $0x1  }
0xcd: {  	v2 =	vadd.s32 @!p0 v4, v2;
	_ =	sdelay $0x3  }
0xce: {  	s22 =	simm.s32 @!p0 $0x4400  }
0xcf: {  	[tilespmem:s22], [sflag:$0x3] =	stream.indirect_vreg.gather @!p0 [hbm4b:s1+s18], $0x80, v2, vm1, $0xb8;
	[tilespmem:$0x10400] =	vst v63  }
0xd0: {  	s22 =	simm.s32 @!p0 $0x4C00  }
0xd1: {  	[tilespmem:s22], [sflag:$0x3] =	stream.indirect_vreg.gather @!p0 [hbm4b:s5+s18], $0x80, v2, vm1, $0xb8;
	[tilespmem:$0x10400] =	vst v63  }
0xd2: {  	s22 =	simm.s32 @!p0 $0x5400  }
0xd3: {  	[tilespmem:s22], [sflag:$0x3] =	stream.indirect_vreg.gather @!p0 [hbm4b:s6+s18], $0x80, v2, vm1, $0xb8;
	[tilespmem:$0x10400] =	vst v63  }
0xd4: {  	s22 =	simm.s32 @!p0 $0x5C00  }
0xd5: {  	[tilespmem:s22], [sflag:$0x3] =	stream.indirect_vreg.gather @!p0 [hbm4b:s7+s18], $0x80, v2, vm1, $0xb8;
	[tilespmem:$0x10400] =	vst v63  }
0xd6: {  	_ =	swait.ge [sflag:s13], $0x2000  }
0xd7: {  	[sflag:s13] =	ssyncset.done $0x0  }
0xd8: {  	s2 =	simm.s32 $0x8400;
	s22 =	sadd.s32 $0x1000, s28;
	[sflag:s13] =	ssyncadd.s32 $0xFFFFE000  }
0xd9: {  	[hbm4b:s22+s3] =	stream.linear.scatter [tilespmem:s2], [sflag:$0xD], $0x2000, $0x38;
	[tilespmem:$0x10400] =	vst v63  }
0xda: {  	_ =	swait.ge [sflag:s4], $0x2000  }
0xdb: {  	[sflag:s4] =	ssyncset.done $0x0  }
0xdc: {  	[sflag:s4] =	ssyncadd.s32 $0xFFFFE000  }
0xdd: {  	v2 =	vld.msk @!p0 [tilespmem:s16+$0xFFFFFFE8], $0xff;
	_ =	sdelay $0x4  }
0xde: {  	v5 =	vshll.u32 @!p0 v2, $0x3  }
0xdf: {  	v2 =	vand.u32 @!p0 $0x7, v2;
	v5 =	vand.u32 @!p0 $0xFFFFFFC0, v5  }
0xe0: {  	v2 =	vor.u32 @!p0 v2, v5  }
0xe1: {  	v2 =	vperm.xlane @!p0 v2, v3;
	_ =	sdelay $0x1  }
0xe2: {  	v2 =	vadd.s32 @!p0 v4, v2;
	_ =	sdelay $0x3  }
0xe3: {  	s22 =	simm.s32 @!p0 $0x6400  }
0xe4: {  	[tilespmem:s22], [sflag:$0x4] =	stream.indirect_vreg.gather @!p0 [hbm4b:s1+s18], $0x80, v2, vm1, $0xb8;
	[tilespmem:$0x10400] =	vst v63  }
0xe5: {  	s22 =	simm.s32 @!p0 $0x6C00  }
0xe6: {  	[tilespmem:s22], [sflag:$0x4] =	stream.indirect_vreg.gather @!p0 [hbm4b:s5+s18], $0x80, v2, vm1, $0xb8;
	[tilespmem:$0x10400] =	vst v63  }
0xe7: {  	s22 =	simm.s32 @!p0 $0x7400  }
0xe8: {  	[tilespmem:s22], [sflag:$0x4] =	stream.indirect_vreg.gather @!p0 [hbm4b:s6+s18], $0x80, v2, vm1, $0xb8;
	[tilespmem:$0x10400] =	vst v63  }
0xe9: {  	s22 =	simm.s32 @!p0 $0x7C00  }
0xea: {  	[tilespmem:s22], [sflag:$0x4] =	stream.indirect_vreg.gather @!p0 [hbm4b:s7+s18], $0x80, v2, vm1, $0xb8;
	[tilespmem:$0x10400] =	vst v63  }
0xeb: {  	_ =	swait.ge [sflag:s8], $0x2000  }
0xec: {  	[sflag:s8] =	ssyncset.done $0x0  }
0xed: {  	s2 =	simm.s32 $0xA400;
	s22 =	sadd.s32 $0x1400, s28;
	[sflag:s8] =	ssyncadd.s32 $0xFFFFE000  }
0xee: {  	[hbm4b:s22+s3] =	stream.linear.scatter [tilespmem:s2], [sflag:$0xE], $0x2000, $0x38;
	[tilespmem:$0x10400] =	vst v63  }
0xef: {  	_ =	swait.ge [sflag:s10], $0x2000  }
0xf0: {  	[sflag:s10] =	ssyncset.done $0x0  }
0xf1: {  	[sflag:s10] =	ssyncadd.s32 $0xFFFFE000  }
0xf2: {  	v2 =	vld.msk @!p0 [tilespmem:s16+$0xFFFFFFF0], $0xff;
	_ =	sdelay $0x4  }
0xf3: {  	v5 =	vshll.u32 @!p0 v2, $0x3  }
0xf4: {  	v2 =	vand.u32 @!p0 $0x7, v2;
	v5 =	vand.u32 @!p0 $0xFFFFFFC0, v5  }
0xf5: {  	v2 =	vor.u32 @!p0 v2, v5  }
0xf6: {  	v2 =	vperm.xlane @!p0 v2, v3;
	_ =	sdelay $0x1  }
0xf7: {  	v2 =	vadd.s32 @!p0 v4, v2;
	_ =	sdelay $0x3  }
0xf8: {  	s22 =	simm.s32 @!p0 $0x8400  }
0xf9: {  	[tilespmem:s22], [sflag:$0x5] =	stream.indirect_vreg.gather @!p0 [hbm4b:s1+s18], $0x80, v2, vm1, $0xb8;
	[tilespmem:$0x10400] =	vst v63  }
0xfa: {  	s22 =	simm.s32 @!p0 $0x8C00  }
0xfb: {  	[tilespmem:s22], [sflag:$0x5] =	stream.indirect_vreg.gather @!p0 [hbm4b:s5+s18], $0x80, v2, vm1, $0xb8;
	[tilespmem:$0x10400] =	vst v63  }
0xfc: {  	s22 =	simm.s32 @!p0 $0x9400  }
0xfd: {  	[tilespmem:s22], [sflag:$0x5] =	stream.indirect_vreg.gather @!p0 [hbm4b:s6+s18], $0x80, v2, vm1, $0xb8;
	[tilespmem:$0x10400] =	vst v63  }
0xfe: {  	s22 =	simm.s32 @!p0 $0x9C00  }
0xff: {  	[tilespmem:s22], [sflag:$0x5] =	stream.indirect_vreg.gather @!p0 [hbm4b:s7+s18], $0x80, v2, vm1, $0xb8;
	[tilespmem:$0x10400] =	vst v63  }
0x100: {  	_ =	swait.ge [sflag:s11], $0x2000  }
0x101: {  	[sflag:s11] =	ssyncset.done $0x0  }
0x102: {  	s2 =	sadd.s32 $0x1800, s28;
	[sflag:s11] =	ssyncadd.s32 $0xFFFFE000  }
0x103: {  	[hbm4b:s2+s3] =	stream.linear.scatter [tilespmem:s14], [sflag:$0xF], $0x2000, $0x38;
	[tilespmem:$0x10400] =	vst v63  }
0x104: {  	_ =	swait.ge [sflag:s15], $0x2000  }
0x105: {  	[sflag:s15] =	ssyncset.done $0x0  }
0x106: {  	[sflag:s15] =	ssyncadd.s32 $0xFFFFE000  }
0x107: {  	v2 =	vld.msk @!p0 [tilespmem:s16+$0xFFFFFFF8], $0xff;
	_ =	sdelay $0x4  }
0x108: {  	v5 =	vshll.u32 @!p0 v2, $0x3  }
0x109: {  	v2 =	vand.u32 @!p0 $0x7, v2;
	v5 =	vand.u32 @!p0 $0xFFFFFFC0, v5  }
0x10a: {  	v2 =	vor.u32 @!p0 v2, v5  }
0x10b: {  	v2 =	vperm.xlane @!p0 v2, v3;
	_ =	sdelay $0x1  }
0x10c: {  	v2 =	vadd.s32 @!p0 v4, v2;
	_ =	sdelay $0x3  }
0x10d: {  	s22 =	simm.s32 @!p0 $0xA400  }
0x10e: {  	[tilespmem:s22], [sflag:$0x6] =	stream.indirect_vreg.gather @!p0 [hbm4b:s1+s18], $0x80, v2, vm1, $0xb8;
	[tilespmem:$0x10400] =	vst v63  }
0x10f: {  	s22 =	simm.s32 @!p0 $0xAC00  }
0x110: {  	[tilespmem:s22], [sflag:$0x6] =	stream.indirect_vreg.gather @!p0 [hbm4b:s5+s18], $0x80, v2, vm1, $0xb8;
	[tilespmem:$0x10400] =	vst v63  }
0x111: {  	s22 =	simm.s32 @!p0 $0xB400  }
0x112: {  	[tilespmem:s22], [sflag:$0x6] =	stream.indirect_vreg.gather @!p0 [hbm4b:s6+s18], $0x80, v2, vm1, $0xb8;
	[tilespmem:$0x10400] =	vst v63  }
0x113: {  	s22 =	simm.s32 @!p0 $0xBC00  }
0x114: {  	[tilespmem:s22], [sflag:$0x6] =	stream.indirect_vreg.gather @!p0 [hbm4b:s7+s18], $0x80, v2, vm1, $0xb8;
	[tilespmem:$0x10400] =	vst v63  }
0x115: {  	_ =	swait.ge [sflag:s19], $0x2000  }
0x116: {  	[sflag:s19] =	ssyncset.done $0x0  }
.Ltmp2:
0x117: {  	s28 =	sadd.s32 $0x1C00, s28;
	[sflag:s19] =	ssyncadd.s32 $0xFFFFE000;
	(pc) =	sbr.rel @p0 .LBB2_4-.Ltmp2, $4  }
0x118: {  	[hbm4b:s28+s3] =	stream.linear.scatter [tilespmem:s21], [sflag:$0x10], $0x2000, $0x38;
	[tilespmem:$0x10400] =	vst v63  }
0x119: {  	_ =	swait.ge [sflag:s23], $0x2000  }
0x11a: {  	[sflag:s23] =	ssyncset.done $0x0  }
0x11b: {  	[sflag:s23] =	ssyncadd.s32 $0xFFFFE000  }
0x11c: {  	v2 =	vld.msk [tilespmem:s16+$0x0], $0xff;
	_ =	sdelay $0x4  }
0x11d: {  	v3 =	vshll.u32 v2, $0x3  }
0x11e: {  	v2 =	vand.u32 $0x7, v2;
	v3 =	vand.u32 $0xFFFFFFC0, v3  }
0x11f: {  	v2 =	vor.u32 v2, v3  }
0x120: {  	v2 =	vperm.xlane v2, v0;
	_ =	sdelay $0x1  }
0x121: {  	v2 =	vadd.s32 v1, v2;
	_ =	sdelay $0x4  }
0x122: {  	[tilespmem:s14], [sflag:$0x7] =	stream.indirect_vreg.gather [hbm4b:s1+s3], $0x80, v2, vm0, $0xb8;
	[tilespmem:$0x10400] =	vst v63  }
0x123: {  	s2 =	simm.s32 $0xCC00  }
0x124: {  	[tilespmem:s2], [sflag:$0x7] =	stream.indirect_vreg.gather [hbm4b:s5+s3], $0x80, v2, vm0, $0xb8;
	[tilespmem:$0x10400] =	vst v63  }
.Ltmp3:
0x125: {  	_ = 	snop;
	(pc) =	sbr.rel .LBB2_2-.Ltmp3, $4  }
0x126: {  	s22 =	simm.s32 $0xD400  }
0x127: {  	[tilespmem:s22], [sflag:$0x7] =	stream.indirect_vreg.gather [hbm4b:s6+s3], $0x80, v2, vm0, $0xb8;
	[tilespmem:$0x10400] =	vst v63  }
0x128: {  	s28 =	simm.s32 $0xDC00;
	s17 =	sadd.s32 $0x2000, s17;
	s16 =	sadd.s32 $0x40, s16  }
0x129: {  	[tilespmem:s28], [sflag:$0x7] =	stream.indirect_vreg.gather [hbm4b:s7+s3], $0x80, v2, vm0, $0xb8;
	[tilespmem:$0x10400] =	vst v63  }
.LBB2_5:
0x12a: {  	_ =	sfence.sel $0x180000  }
0x12b: {  	[bflag:$0x0] =	sbarrier.arrive $0xFFFF  }
0x12c: {  	_ =	strace $0x90000047  }
0x12d: {  	s0 =	stileid.u32;
	[bflag:$0x2] =	sbarrier.arrive $0xFFFF  }
0x12e: {  	p0 =	sne.s32 s0, $0x0;
	s0 =	rddreg [dreg:$0x3]  }
0x12f: {  	s0 =	sadd.s32 @!p0 $0x100000, s0  }
0x130: {  	[sflag:s0] =	ssyncadd.tile.s32 @!p0 $0x1;
	_ =	shalt  }
.Lfunc_end2:
_tile_overlayer_lowered:
.L_overlay_start_2:
0x131: {  	(tag) =	ssettag $0x2  }
0x132: {  	s0 =	rddreg [dreg:$0x0];
	s2 =	stileid.u32  }
0x133: {  	s1 =	rddreg [dreg:$0x1];
	p0 =	sne.s32 s2, $0x0  }
0x134: {  	s3 =	rddreg [dreg:$0x2];
	[bflag:$0x3] =	sbarrier.arrive $0xFFFF;
	s2 =	simm.s32 @!p0 $0x1C11  }
0x135: {  	[timem:s3], [sflag:s2] =	dma.local @!p0 [hbm:s0], s1  }
0x136: {  	s0 =	simm.s32 @!p0 $0x11  }
0x137: {  	_ =	swait.ge @!p0 [sflag:s0], s1  }
0x138: {  	s1 =	ssub.s32 @!p0 $0x0, s1;
	[sflag:s0] =	ssyncset.done @!p0 $0x0  }
0x139: {  	[sflag:s0] =	ssyncadd.s32 @!p0 s1  }
0x13a: {  	[bflag:$0x3] =	sbarrier.arrive $0xFFFF  }
0x13b: {  	_ =	shalt  }

</sc_bundles>
